<compile_context>
chip_gen: v7x
topology: tpu7x:2x2x1
jax: 0.10.2.dev20260603
libtpu: 0.0.44.dev20260713+nightly
codegen_flags: <defaults>
</compile_context>

<pallas_src>
import functools

import jax
import jax.numpy as jnp
from jax import lax
from jax.experimental import pallas as pl
from jax.experimental.pallas import tpu as pltpu
from jax.experimental.pallas import tpu_sc as plsc

G = 4096
D = 128
N = 100000
NB = 8
NC, NS, L = 2, 16, 16
NW = NC * NS
BPW = 3136
CH = 224
NCH = BPW // CH
BPW_LAST = N - (NW - 1) * BPW
PARTIAL_C = BPW_LAST // CH
PARTIAL_LEN = BPW_LAST - PARTIAL_C * CH


def _emb_body(tau_ref, emb_ref, alpha_ref, sigma_ref):
    tau = tau_ref[:, :]
    col = lax.broadcasted_iota(jnp.int32, (1, D), 1)
    half = col >= D // 2
    j = jnp.where(half, col - D // 2, col).astype(jnp.float32)
    freq = jnp.exp(-jnp.log(10000.0) * j / (D // 2))
    phase = jnp.where(half, jnp.float32(jnp.pi / 2), jnp.float32(0.0))
    x = tau * freq + phase
    x2 = x * x
    p = jnp.float32(-1.0 / 39916800.0)
    p = p * x2 + jnp.float32(1.0 / 362880.0)
    p = p * x2 + jnp.float32(-1.0 / 5040.0)
    p = p * x2 + jnp.float32(1.0 / 120.0)
    p = p * x2 + jnp.float32(-1.0 / 6.0)
    emb_ref[:, :] = x * (p * x2 + jnp.float32(1.0))
    alpha_ref[:, :] = 1.0 - tau
    sigma_ref[:, :] = tau


_emb_call = pl.pallas_call(
    _emb_body,
    out_shape=[
        jax.ShapeDtypeStruct((G, D), jnp.float32),
        jax.ShapeDtypeStruct((G, 1), jnp.float32),
        jax.ShapeDtypeStruct((G, 1), jnp.float32),
    ],
)


def _bits_body(parts_ref, bits_ref):
    counts = jnp.sum(parts_ref[:, :], axis=0, keepdims=True)
    row = lax.broadcasted_iota(jnp.int32, (NB, G), 0)
    bits_ref[:, :] = ((counts >> row) & 1).astype(jnp.float32)


_bits_call = pl.pallas_call(
    _bits_body,
    out_shape=jax.ShapeDtypeStruct((NB, G), jnp.float32),
)


def _stage_idx(idx_hbm, idx_v, base, is_last):

    @pl.when(jnp.logical_not(is_last))
    def _():
        pltpu.sync_copy(idx_hbm.at[pl.ds(base, BPW)], idx_v)

    @pl.when(is_last)
    def _():
        pltpu.sync_copy(
            idx_hbm.at[pl.ds(base, BPW_LAST)], idx_v.at[pl.ds(0, BPW_LAST)]
        )
        for t in range(BPW_LAST, BPW, L):
            idx_v[pl.ds(t, L)] = jnp.zeros((L,), jnp.int32)


@functools.cache
def _make_sc_expand():
    mesh = plsc.VectorSubcoreMesh(
        core_axis_name="c", subcore_axis_name="s", num_cores=NC, num_subcores=NS
    )
    return pl.kernel(
        _sc_expand_body,
        out_type=[
            jax.ShapeDtypeStruct((N, D), jnp.float32),
            jax.ShapeDtypeStruct((NW, G), jnp.int32),
        ],
        mesh=mesh,
        compiler_params=pltpu.CompilerParams(needs_layout_passes=False),
        scratch_types=[
            pltpu.VMEM((BPW,), jnp.int32),
            pltpu.VMEM((CH, D), jnp.float32),
            pltpu.VMEM((CH, D), jnp.float32),
            pltpu.VMEM((CH, D), jnp.float32),
            pltpu.VMEM((G,), jnp.int32),
            pltpu.VMEM_SHARED((G, D), jnp.float32),
            pltpu.SemaphoreType.DMA,
            pltpu.SemaphoreType.DMA,
            pltpu.SemaphoreType.DMA,
            pltpu.SemaphoreType.DMA,
            pltpu.SemaphoreType.DMA,
            pltpu.SemaphoreType.DMA,
        ],
    )


def _sc_expand_body(emb_hbm, idx_hbm, out_hbm, parts_hbm,
                    idx_v, rows0, rows1, rows2, cnt_v, semb,
                    gs0, gs1, gs2, ss0, ss1, ss2):
    wid = lax.axis_index("s") * NC + lax.axis_index("c")
    sid = lax.axis_index("s")
    base = wid * BPW
    is_last = wid == NW - 1
    _stage_idx(idx_hbm, idx_v, base, is_last)

    GPT = G // NS
    pltpu.sync_copy(
        emb_hbm.at[pl.ds(sid * GPT, GPT)], semb.at[pl.ds(sid * GPT, GPT)]
    )
    plsc.subcore_barrier()

    bufs = (rows0, rows1, rows2)
    gsems = (gs0, gs1, gs2)
    ssems = (ss0, ss1, ss2)
    NBUF = 3
    FULL = BPW_LAST // CH

    def start_gather(c):
        b = c % NBUF
        return pltpu.async_copy(
            semb.at[idx_v.at[pl.ds(c * CH, CH)]], bufs[b], gsems[b]
        )

    g = [start_gather(0), start_gather(1), None]
    s = [None, None, None]

    def zero_body(i, carry):
        for u in range(4):
            cnt_v[pl.ds((i * 4 + u) * L, L)] = jnp.zeros((L,), jnp.int32)
        return carry

    lax.fori_loop(0, G // L // 4, zero_body, 0)

    iota16 = lax.iota(jnp.int32, L)
    ones16 = jnp.ones((L,), jnp.int32)

    def count_body(j, carry):
        for u in range(2):
            jj = j * 2 + u
            v = idx_v[pl.ds(jj * L, L)]
            valid = (base + jj * L + iota16) < N
            plsc.addupdate_scatter(cnt_v, [v], ones16, mask=valid)
        return carry

    lax.fori_loop(0, BPW // L // 2, count_body, 0)
    pltpu.sync_copy(cnt_v, parts_hbm.at[wid])

    for c in range(NCH):
        b = c % NBUF
        g[b].wait()
        if c < FULL:
            s[b] = pltpu.async_copy(
                bufs[b], out_hbm.at[pl.ds(base + c * CH, CH)], ssems[b]
            )
        else:
            def store_full(b=b, c=c):
                pltpu.sync_copy(bufs[b], out_hbm.at[pl.ds(base + c * CH, CH)])

            if c == PARTIAL_C:
                pl.when(jnp.logical_not(is_last))(store_full)

                @pl.when(is_last)
                def _(b=b, c=c):
                    pltpu.sync_copy(
                        bufs[b].at[pl.ds(0, PARTIAL_LEN)],
                        out_hbm.at[pl.ds(base + c * CH, PARTIAL_LEN)],
                    )
            else:
                pl.when(jnp.logical_not(is_last))(store_full)
            s[b] = None

        n = c + 2
        if n < NCH:
            nb = n % NBUF
            if s[nb] is not None:
                s[nb].wait()
                s[nb] = None
            g[nb] = start_gather(n)

    for b in range(NBUF):
        if s[b] is not None:
            s[b].wait()


def kernel(tau, batch):
    emb, alpha, sigma = _emb_call(tau.reshape(G, 1))
    out, parts = _make_sc_expand()(emb, batch)
    bits = _bits_call(parts)
    return out, alpha, sigma, bits.T

# --- scband reference (transcript-rebuilt; emitter-appended) ---
"""Pipeline reference for scband-forward-flow-matching-module-34660386079320 (READ-ONLY COPY).

The authoritative reference and input builder live on the scoring server;
editing this copy changes nothing except your own understanding.
"""

import jax, jax.numpy as jnp
import numpy as np

NUM_GRAPHS = 4096
N_ATOMS = 100000
EMBED_DIM = 128
NUM_BITS = 8


def sinusoidal_embedding(tau, dim):
    half = dim // 2
    freqs = jnp.exp(-jnp.log(10000.0) * jnp.arange(half, dtype=jnp.float32) / half)
    args = tau[:, None] * freqs[None, :]
    return jnp.concatenate([jnp.sin(args), jnp.cos(args)], axis=-1)


def setup_inputs(seed: int = 0) -> dict:
    key = jax.random.key(seed)
    k1, k2 = jax.random.split(key)
    # per-graph sampled flow time tau (T_SAMPLED_KEY), normalized to [0, 1)
    tau = jax.random.uniform(k1, (NUM_GRAPHS,), dtype=jnp.float32)
    # per-atom batch assignment (BATCH_KEY), sorted as in real batched graph data
    batch = jnp.sort(jax.random.randint(k2, (N_ATOMS,), 0, NUM_GRAPHS))
    return {"tau": tau, "batch": batch}


def reference(tau, batch):
    # _reverse path of ForwardFlowMatchingModule (T_SAMPLED_KEY present)
    # 1) per-graph atom counts via bincount (segment reduce over atoms)
    counts = jnp.bincount(batch, length=NUM_GRAPHS)
    # 2) binary encoding of atom counts: (counts >> bit) & 1
    shifts = jnp.arange(NUM_BITS)
    num_atoms_bits = ((counts[:, None] >> shifts[None, :]) & 1).astype(jnp.float32)
    # 3) flow matching scheduler (rectified-flow style): data_scale, noise_scale
    alpha = (1.0 - tau).reshape(-1, 1)
    sigma = tau.reshape(-1, 1)
    # 4) sinusoidal time embedding per graph, broadcast to atoms via gather
    emb = sinusoidal_embedding(tau, EMBED_DIM)
    conditioning = emb[batch]
    return (conditioning, alpha, sigma, num_atoms_bits)

if __name__ == "__main__":
    import jax
    _d = setup_inputs()
    print(jax.jit(kernel)(*tuple(_d.values())))

</pallas_src>

<mosaic_0001>
#map = affine_map<(d0, d1) -> (0, 0)>
#map1 = affine_map<(d0, d1) -> (0)>
module attributes {stable_mosaic.version = 14 : i64} {
  func.func @_sc_expand_body(%arg0: i32, %arg1: i32, %arg2: memref<4096x128xf32, #tpu.memory_space<hbm>>, %arg3: memref<100000xi32, #tpu.memory_space<hbm>>, %arg4: memref<100000x128xf32, #tpu.memory_space<hbm>>, %arg5: memref<32x4096xi32, #tpu.memory_space<hbm>>, %arg6: memref<3136xi32, #tpu.memory_space<vmem>>, %arg7: memref<224x128xf32, #tpu.memory_space<vmem>>, %arg8: memref<224x128xf32, #tpu.memory_space<vmem>>, %arg9: memref<224x128xf32, #tpu.memory_space<vmem>>, %arg10: memref<4096xi32, #tpu.memory_space<vmem>>, %arg11: memref<4096x128xf32, #tpu.memory_space<vmem_shared>>, %arg12: memref<!tpu.dma_semaphore, #tpu.memory_space<semaphore_mem>>, %arg13: memref<!tpu.dma_semaphore, #tpu.memory_space<semaphore_mem>>, %arg14: memref<!tpu.dma_semaphore, #tpu.memory_space<semaphore_mem>>, %arg15: memref<!tpu.dma_semaphore, #tpu.memory_space<semaphore_mem>>, %arg16: memref<!tpu.dma_semaphore, #tpu.memory_space<semaphore_mem>>, %arg17: memref<!tpu.dma_semaphore, #tpu.memory_space<semaphore_mem>>) attributes {dimension_semantics = [#tpu.dimension_semantics<core_parallel>, #tpu.dimension_semantics<subcore_parallel>], iteration_bounds = array<i64: 2, 16>, scalar_prefetch = 0 : i64, scratch_operands = 12 : i64, tpu.core_type = #tpu.core_type<sc_vector_subcore>, window_params = [{transform_indices = #map}, {transform_indices = #map1}, {transform_indices = #map}, {transform_indices = #map}]} {
    %mul3A = arith.constant 2 : i32
    %mul3A_0 = arith.muli %arg1, %mul3A : i32
    %add3A = arith.addi %mul3A_0, %arg0 : i32
    %mul3A_1 = arith.constant 3136 : i32
    %mul3A_2 = arith.muli %add3A, %mul3A_1 : i32
    %eq3A = arith.constant 31 : i32
    %eq3A_3 = arith.cmpi eq, %add3A, %eq3A : i32
    %not3A = arith.constant true
    %not3A_4 = arith.xori %eq3A_3, %not3A : i1
    %convert_element_type3A = arith.extui %not3A_4 : i1 to i32
    %cond3A = arith.constant 0 : i32
    %cond3A_5 = arith.cmpi ne, %convert_element_type3A, %cond3A : i32
    scf.if %cond3A_5 {
      "tpu.region"() ({
        %run_scoped3A = tpu.sem_alloc : memref<!tpu.dma_semaphore, #tpu.memory_space<semaphore_mem>>
        %dma_start3A_296 = tpu.memref_slice %arg3[%mul3A_2] : memref<100000xi32, #tpu.memory_space<hbm>> -> memref<3136xi32, #tpu.memory_space<hbm>>
        %dma_start3A_297 = tpu.memref_slice %arg3[%mul3A_2] : memref<100000xi32, #tpu.memory_space<hbm>> -> memref<3136xi32, #tpu.memory_space<hbm>>
        tpu.enqueue_dma source(%dma_start3A_297 : memref<3136xi32, #tpu.memory_space<hbm>>) target(%arg6 : memref<3136xi32, #tpu.memory_space<vmem>>) target_semaphore(%run_scoped3A : memref<!tpu.dma_semaphore, #tpu.memory_space<semaphore_mem>>)
        %dma_wait3A_298 = tpu.memref_slice %arg3[%mul3A_2] : memref<100000xi32, #tpu.memory_space<hbm>> -> memref<3136xi32, #tpu.memory_space<hbm>>
        %dma_wait3A_299 = tpu.memref_slice %arg3[%mul3A_2] : memref<100000xi32, #tpu.memory_space<hbm>> -> memref<3136xi32, #tpu.memory_space<hbm>>
        tpu.wait_dma2 semaphore(%run_scoped3A : memref<!tpu.dma_semaphore, #tpu.memory_space<semaphore_mem>>) src(%dma_wait3A_299 : memref<3136xi32, #tpu.memory_space<hbm>>) dst(%arg6 : memref<3136xi32, #tpu.memory_space<vmem>>)
        tpu.yield
      }) : () -> ()
    } else {
    }
    %convert_element_type3A_6 = arith.extui %eq3A_3 : i1 to i32
    %cond3A_7 = arith.constant 0 : i32
    %cond3A_8 = arith.cmpi ne, %convert_element_type3A_6, %cond3A_7 : i32
    scf.if %cond3A_8 {
      "tpu.region"() ({
        %run_scoped3A = tpu.sem_alloc : memref<!tpu.dma_semaphore, #tpu.memory_space<semaphore_mem>>
        %dma_start3A_383 = arith.constant 0 : i32
        %dma_start3A_384 = tpu.memref_slice %arg6[%dma_start3A_383] : memref<3136xi32, #tpu.memory_space<vmem>> -> memref<2784xi32, #tpu.memory_space<vmem>>
        %dma_start3A_385 = tpu.memref_slice %arg3[%mul3A_2] : memref<100000xi32, #tpu.memory_space<hbm>> -> memref<2784xi32, #tpu.memory_space<hbm>>
        %dma_start3A_386 = arith.constant 0 : i32
        %dma_start3A_387 = tpu.memref_slice %arg6[%dma_start3A_386] : memref<3136xi32, #tpu.memory_space<vmem>> -> memref<2784xi32, #tpu.memory_space<vmem>>
        %dma_start3A_388 = tpu.memref_slice %arg3[%mul3A_2] : memref<100000xi32, #tpu.memory_space<hbm>> -> memref<2784xi32, #tpu.memory_space<hbm>>
        tpu.enqueue_dma source(%dma_start3A_388 : memref<2784xi32, #tpu.memory_space<hbm>>) target(%dma_start3A_387 : memref<2784xi32, #tpu.memory_space<vmem>>) target_semaphore(%run_scoped3A : memref<!tpu.dma_semaphore, #tpu.memory_space<semaphore_mem>>)
        %dma_wait3A_389 = arith.constant 0 : i32
        %dma_wait3A_390 = tpu.memref_slice %arg6[%dma_wait3A_389] : memref<3136xi32, #tpu.memory_space<vmem>> -> memref<2784xi32, #tpu.memory_space<vmem>>
        %dma_wait3A_391 = tpu.memref_slice %arg3[%mul3A_2] : memref<100000xi32, #tpu.memory_space<hbm>> -> memref<2784xi32, #tpu.memory_space<hbm>>
        %dma_wait3A_392 = arith.constant 0 : i32
        %dma_wait3A_393 = tpu.memref_slice %arg6[%dma_wait3A_392] : memref<3136xi32, #tpu.memory_space<vmem>> -> memref<2784xi32, #tpu.memory_space<vmem>>
        %dma_wait3A_394 = tpu.memref_slice %arg3[%mul3A_2] : memref<100000xi32, #tpu.memory_space<hbm>> -> memref<2784xi32, #tpu.memory_space<hbm>>
        tpu.wait_dma2 semaphore(%run_scoped3A : memref<!tpu.dma_semaphore, #tpu.memory_space<semaphore_mem>>) src(%dma_wait3A_394 : memref<2784xi32, #tpu.memory_space<hbm>>) dst(%dma_wait3A_393 : memref<2784xi32, #tpu.memory_space<vmem>>)
        tpu.yield
      }) : () -> ()
      %broadcast_in_dim3A_296 = arith.constant 0 : i32
      %broadcast_in_dim3A_297 = vector.broadcast %broadcast_in_dim3A_296 : i32 to vector<16xi32>
      %swap3A = arith.constant 2784 : index
      %swap3A_298 = tpu.vector_load %arg6[%swap3A] {strides = array<i32>} : memref<3136xi32, #tpu.memory_space<vmem>>, vector<16xi32>,
      tpu.vector_store %arg6[%swap3A], %broadcast_in_dim3A_297 {strides = array<i32>} : memref<3136xi32, #tpu.memory_space<vmem>>, vector<16xi32>,
      %broadcast_in_dim3A_299 = arith.constant 0 : i32
      %broadcast_in_dim3A_300 = vector.broadcast %broadcast_in_dim3A_299 : i32 to vector<16xi32>
      %swap3A_301 = arith.constant 2800 : index
      %swap3A_302 = tpu.vector_load %arg6[%swap3A_301] {strides = array<i32>} : memref<3136xi32, #tpu.memory_space<vmem>>, vector<16xi32>,
      tpu.vector_store %arg6[%swap3A_301], %broadcast_in_dim3A_300 {strides = array<i32>} : memref<3136xi32, #tpu.memory_space<vmem>>, vector<16xi32>,
      %broadcast_in_dim3A_303 = arith.constant 0 : i32
      %broadcast_in_dim3A_304 = vector.broadcast %broadcast_in_dim3A_303 : i32 to vector<16xi32>
      %swap3A_305 = arith.constant 2816 : index
      %swap3A_306 = tpu.vector_load %arg6[%swap3A_305] {strides = array<i32>} : memref<3136xi32, #tpu.memory_space<vmem>>, vector<16xi32>,
      tpu.vector_store %arg6[%swap3A_305], %broadcast_in_dim3A_304 {strides = array<i32>} : memref<3136xi32, #tpu.memory_space<vmem>>, vector<16xi32>,
      %broadcast_in_dim3A_307 = arith.constant 0 : i32
      %broadcast_in_dim3A_308 = vector.broadcast %broadcast_in_dim3A_307 : i32 to vector<16xi32>
      %swap3A_309 = arith.constant 2832 : index
      %swap3A_310 = tpu.vector_load %arg6[%swap3A_309] {strides = array<i32>} : memref<3136xi32, #tpu.memory_space<vmem>>, vector<16xi32>,
      tpu.vector_store %arg6[%swap3A_309], %broadcast_in_dim3A_308 {strides = array<i32>} : memref<3136xi32, #tpu.memory_space<vmem>>, vector<16xi32>,
      %broadcast_in_dim3A_311 = arith.constant 0 : i32
      %broadcast_in_dim3A_312 = vector.broadcast %broadcast_in_dim3A_311 : i32 to vector<16xi32>
      %swap3A_313 = arith.constant 2848 : index
      %swap3A_314 = tpu.vector_load %arg6[%swap3A_313] {strides = array<i32>} : memref<3136xi32, #tpu.memory_space<vmem>>, vector<16xi32>,
      tpu.vector_store %arg6[%swap3A_313], %broadcast_in_dim3A_312 {strides = array<i32>} : memref<3136xi32, #tpu.memory_space<vmem>>, vector<16xi32>,
      %broadcast_in_dim3A_315 = arith.constant 0 : i32
      %broadcast_in_dim3A_316 = vector.broadcast %broadcast_in_dim3A_315 : i32 to vector<16xi32>
      %swap3A_317 = arith.constant 2864 : index
      %swap3A_318 = tpu.vector_load %arg6[%swap3A_317] {strides = array<i32>} : memref<3136xi32, #tpu.memory_space<vmem>>, vector<16xi32>,
      tpu.vector_store %arg6[%swap3A_317], %broadcast_in_dim3A_316 {strides = array<i32>} : memref<3136xi32, #tpu.memory_space<vmem>>, vector<16xi32>,
      %broadcast_in_dim3A_319 = arith.constant 0 : i32
      %broadcast_in_dim3A_320 = vector.broadcast %broadcast_in_dim3A_319 : i32 to vector<16xi32>
      %swap3A_321 = arith.constant 2880 : index
      %swap3A_322 = tpu.vector_load %arg6[%swap3A_321] {strides = array<i32>} : memref<3136xi32, #tpu.memory_space<vmem>>, vector<16xi32>,
      tpu.vector_store %arg6[%swap3A_321], %broadcast_in_dim3A_320 {strides = array<i32>} : memref<3136xi32, #tpu.memory_space<vmem>>, vector<16xi32>,
      %broadcast_in_dim3A_323 = arith.constant 0 : i32
      %broadcast_in_dim3A_324 = vector.broadcast %broadcast_in_dim3A_323 : i32 to vector<16xi32>
      %swap3A_325 = arith.constant 2896 : index
      %swap3A_326 = tpu.vector_load %arg6[%swap3A_325] {strides = array<i32>} : memref<3136xi32, #tpu.memory_space<vmem>>, vector<16xi32>,
      tpu.vector_store %arg6[%swap3A_325], %broadcast_in_dim3A_324 {strides = array<i32>} : memref<3136xi32, #tpu.memory_space<vmem>>, vector<16xi32>,
      %broadcast_in_dim3A_327 = arith.constant 0 : i32
      %broadcast_in_dim3A_328 = vector.broadcast %broadcast_in_dim3A_327 : i32 to vector<16xi32>
      %swap3A_329 = arith.constant 2912 : index
      %swap3A_330 = tpu.vector_load %arg6[%swap3A_329] {strides = array<i32>} : memref<3136xi32, #tpu.memory_space<vmem>>, vector<16xi32>,
      tpu.vector_store %arg6[%swap3A_329], %broadcast_in_dim3A_328 {strides = array<i32>} : memref<3136xi32, #tpu.memory_space<vmem>>, vector<16xi32>,
      %broadcast_in_dim3A_331 = arith.constant 0 : i32
      %broadcast_in_dim3A_332 = vector.broadcast %broadcast_in_dim3A_331 : i32 to vector<16xi32>
      %swap3A_333 = arith.constant 2928 : index
      %swap3A_334 = tpu.vector_load %arg6[%swap3A_333] {strides = array<i32>} : memref<3136xi32, #tpu.memory_space<vmem>>, vector<16xi32>,
      tpu.vector_store %arg6[%swap3A_333], %broadcast_in_dim3A_332 {strides = array<i32>} : memref<3136xi32, #tpu.memory_space<vmem>>, vector<16xi32>,
      %broadcast_in_dim3A_335 = arith.constant 0 : i32
      %broadcast_in_dim3A_336 = vector.broadcast %broadcast_in_dim3A_335 : i32 to vector<16xi32>
      %swap3A_337 = arith.constant 2944 : index
      %swap3A_338 = tpu.vector_load %arg6[%swap3A_337] {strides = array<i32>} : memref<3136xi32, #tpu.memory_space<vmem>>, vector<16xi32>,
      tpu.vector_store %arg6[%swap3A_337], %broadcast_in_dim3A_336 {strides = array<i32>} : memref<3136xi32, #tpu.memory_space<vmem>>, vector<16xi32>,
      %broadcast_in_dim3A_339 = arith.constant 0 : i32
      %broadcast_in_dim3A_340 = vector.broadcast %broadcast_in_dim3A_339 : i32 to vector<16xi32>
      %swap3A_341 = arith.constant 2960 : index
      %swap3A_342 = tpu.vector_load %arg6[%swap3A_341] {strides = array<i32>} : memref<3136xi32, #tpu.memory_space<vmem>>, vector<16xi32>,
      tpu.vector_store %arg6[%swap3A_341], %broadcast_in_dim3A_340 {strides = array<i32>} : memref<3136xi32, #tpu.memory_space<vmem>>, vector<16xi32>,
      %broadcast_in_dim3A_343 = arith.constant 0 : i32
      %broadcast_in_dim3A_344 = vector.broadcast %broadcast_in_dim3A_343 : i32 to vector<16xi32>
      %swap3A_345 = arith.constant 2976 : index
      %swap3A_346 = tpu.vector_load %arg6[%swap3A_345] {strides = array<i32>} : memref<3136xi32, #tpu.memory_space<vmem>>, vector<16xi32>,
      tpu.vector_store %arg6[%swap3A_345], %broadcast_in_dim3A_344 {strides = array<i32>} : memref<3136xi32, #tpu.memory_space<vmem>>, vector<16xi32>,
      %broadcast_in_dim3A_347 = arith.constant 0 : i32
      %broadcast_in_dim3A_348 = vector.broadcast %broadcast_in_dim3A_347 : i32 to vector<16xi32>
      %swap3A_349 = arith.constant 2992 : index
      %swap3A_350 = tpu.vector_load %arg6[%swap3A_349] {strides = array<i32>} : memref<3136xi32, #tpu.memory_space<vmem>>, vector<16xi32>,
      tpu.vector_store %arg6[%swap3A_349], %broadcast_in_dim3A_348 {strides = array<i32>} : memref<3136xi32, #tpu.memory_space<vmem>>, vector<16xi32>,
      %broadcast_in_dim3A_351 = arith.constant 0 : i32
      %broadcast_in_dim3A_352 = vector.broadcast %broadcast_in_dim3A_351 : i32 to vector<16xi32>
      %swap3A_353 = arith.constant 3008 : index
      %swap3A_354 = tpu.vector_load %arg6[%swap3A_353] {strides = array<i32>} : memref<3136xi32, #tpu.memory_space<vmem>>, vector<16xi32>,
      tpu.vector_store %arg6[%swap3A_353], %broadcast_in_dim3A_352 {strides = array<i32>} : memref<3136xi32, #tpu.memory_space<vmem>>, vector<16xi32>,
      %broadcast_in_dim3A_355 = arith.constant 0 : i32
      %broadcast_in_dim3A_356 = vector.broadcast %broadcast_in_dim3A_355 : i32 to vector<16xi32>
      %swap3A_357 = arith.constant 3024 : index
      %swap3A_358 = tpu.vector_load %arg6[%swap3A_357] {strides = array<i32>} : memref<3136xi32, #tpu.memory_space<vmem>>, vector<16xi32>,
      tpu.vector_store %arg6[%swap3A_357], %broadcast_in_dim3A_356 {strides = array<i32>} : memref<3136xi32, #tpu.memory_space<vmem>>, vector<16xi32>,
      %broadcast_in_dim3A_359 = arith.constant 0 : i32
      %broadcast_in_dim3A_360 = vector.broadcast %broadcast_in_dim3A_359 : i32 to vector<16xi32>
      %swap3A_361 = arith.constant 3040 : index
      %swap3A_362 = tpu.vector_load %arg6[%swap3A_361] {strides = array<i32>} : memref<3136xi32, #tpu.memory_space<vmem>>, vector<16xi32>,
      tpu.vector_store %arg6[%swap3A_361], %broadcast_in_dim3A_360 {strides = array<i32>} : memref<3136xi32, #tpu.memory_space<vmem>>, vector<16xi32>,
      %broadcast_in_dim3A_363 = arith.constant 0 : i32
      %broadcast_in_dim3A_364 = vector.broadcast %broadcast_in_dim3A_363 : i32 to vector<16xi32>
      %swap3A_365 = arith.constant 3056 : index
      %swap3A_366 = tpu.vector_load %arg6[%swap3A_365] {strides = array<i32>} : memref<3136xi32, #tpu.memory_space<vmem>>, vector<16xi32>,
      tpu.vector_store %arg6[%swap3A_365], %broadcast_in_dim3A_364 {strides = array<i32>} : memref<3136xi32, #tpu.memory_space<vmem>>, vector<16xi32>,
      %broadcast_in_dim3A_367 = arith.constant 0 : i32
      %broadcast_in_dim3A_368 = vector.broadcast %broadcast_in_dim3A_367 : i32 to vector<16xi32>
      %swap3A_369 = arith.constant 3072 : index
      %swap3A_370 = tpu.vector_load %arg6[%swap3A_369] {strides = array<i32>} : memref<3136xi32, #tpu.memory_space<vmem>>, vector<16xi32>,
      tpu.vector_store %arg6[%swap3A_369], %broadcast_in_dim3A_368 {strides = array<i32>} : memref<3136xi32, #tpu.memory_space<vmem>>, vector<16xi32>,
      %broadcast_in_dim3A_371 = arith.constant 0 : i32
      %broadcast_in_dim3A_372 = vector.broadcast %broadcast_in_dim3A_371 : i32 to vector<16xi32>
      %swap3A_373 = arith.constant 3088 : index
      %swap3A_374 = tpu.vector_load %arg6[%swap3A_373] {strides = array<i32>} : memref<3136xi32, #tpu.memory_space<vmem>>, vector<16xi32>,
      tpu.vector_store %arg6[%swap3A_373], %broadcast_in_dim3A_372 {strides = array<i32>} : memref<3136xi32, #tpu.memory_space<vmem>>, vector<16xi32>,
      %broadcast_in_dim3A_375 = arith.constant 0 : i32
      %broadcast_in_dim3A_376 = vector.broadcast %broadcast_in_dim3A_375 : i32 to vector<16xi32>
      %swap3A_377 = arith.constant 3104 : index
      %swap3A_378 = tpu.vector_load %arg6[%swap3A_377] {strides = array<i32>} : memref<3136xi32, #tpu.memory_space<vmem>>, vector<16xi32>,
      tpu.vector_store %arg6[%swap3A_377], %broadcast_in_dim3A_376 {strides = array<i32>} : memref<3136xi32, #tpu.memory_space<vmem>>, vector<16xi32>,
      %broadcast_in_dim3A_379 = arith.constant 0 : i32
      %broadcast_in_dim3A_380 = vector.broadcast %broadcast_in_dim3A_379 : i32 to vector<16xi32>
      %swap3A_381 = arith.constant 3120 : index
      %swap3A_382 = tpu.vector_load %arg6[%swap3A_381] {strides = array<i32>} : memref<3136xi32, #tpu.memory_space<vmem>>, vector<16xi32>,
      tpu.vector_store %arg6[%swap3A_381], %broadcast_in_dim3A_380 {strides = array<i32>} : memref<3136xi32, #tpu.memory_space<vmem>>, vector<16xi32>,
    } else {
    }
    %mul3A_9 = arith.constant 256 : i32
    %mul3A_10 = arith.muli %arg1, %mul3A_9 : i32
    %mul3A_11 = arith.constant 256 : i32
    %mul3A_12 = arith.muli %arg1, %mul3A_11 : i32
    "tpu.region"() ({
      %run_scoped3A = tpu.sem_alloc : memref<!tpu.dma_semaphore, #tpu.memory_space<semaphore_mem>>
      %dma_start3A_296 = arith.constant 0 : i32
      %dma_start3A_297 = tpu.memref_slice %arg11[%mul3A_12, %dma_start3A_296] : memref<4096x128xf32, #tpu.memory_space<vmem_shared>> -> memref<256x128xf32, #tpu.memory_space<vmem_shared>>
      %dma_start3A_298 = arith.constant 0 : i32
      %dma_start3A_299 = tpu.memref_slice %arg2[%mul3A_10, %dma_start3A_298] : memref<4096x128xf32, #tpu.memory_space<hbm>> -> memref<256x128xf32, #tpu.memory_space<hbm>>
      tpu.enqueue_dma source(%dma_start3A_299 : memref<256x128xf32, #tpu.memory_space<hbm>>) target(%dma_start3A_297 : memref<256x128xf32, #tpu.memory_space<vmem_shared>>) target_semaphore(%run_scoped3A : memref<!tpu.dma_semaphore, #tpu.memory_space<semaphore_mem>>)
      %dma_wait3A_300 = arith.constant 0 : i32
      %dma_wait3A_301 = tpu.memref_slice %arg11[%mul3A_12, %dma_wait3A_300] : memref<4096x128xf32, #tpu.memory_space<vmem_shared>> -> memref<256x128xf32, #tpu.memory_space<vmem_shared>>
      %dma_wait3A_302 = arith.constant 0 : i32
      %dma_wait3A_303 = tpu.memref_slice %arg2[%mul3A_10, %dma_wait3A_302] : memref<4096x128xf32, #tpu.memory_space<hbm>> -> memref<256x128xf32, #tpu.memory_space<hbm>>
      tpu.wait_dma2 semaphore(%run_scoped3A : memref<!tpu.dma_semaphore, #tpu.memory_space<semaphore_mem>>) src(%dma_wait3A_303 : memref<256x128xf32, #tpu.memory_space<hbm>>) dst(%dma_wait3A_301 : memref<256x128xf32, #tpu.memory_space<vmem_shared>>)
      tpu.yield
    }) : () -> ()
    %barrier3A = arith.constant 0 : index
    tpu.barrier barrier_id(%barrier3A)
    %dma_start3A = arith.constant 0 : i32
    %dma_start3A_13 = tpu.memref_slice %arg6[%dma_start3A] : memref<3136xi32, #tpu.memory_space<vmem>> -> memref<224xi32, #tpu.memory_space<vmem>>
    %dma_start3A_14 = arith.constant 0 : i32
    %dma_start3A_15 = arith.constant 0 : i32
    %dma_start3A_16 = tpu.memref_slice %arg11[%dma_start3A_14, %dma_start3A_15] : memref<4096x128xf32, #tpu.memory_space<vmem_shared>> -> memref<4096x128xf32, #tpu.memory_space<vmem_shared>>
    tpu.enqueue_indirect_dma source(%dma_start3A_16 : memref<4096x128xf32, #tpu.memory_space<vmem_shared>>) target(%arg7 : memref<224x128xf32, #tpu.memory_space<vmem>>) offsets(%dma_start3A_13 : memref<224xi32, #tpu.memory_space<vmem>>) semaphore(%arg12 : memref<!tpu.dma_semaphore, #tpu.memory_space<semaphore_mem>>)
    %dma_start3A_17 = arith.constant 224 : i32
    %dma_start3A_18 = tpu.memref_slice %arg6[%dma_start3A_17] : memref<3136xi32, #tpu.memory_space<vmem>> -> memref<224xi32, #tpu.memory_space<vmem>>
    %dma_start3A_19 = arith.constant 0 : i32
    %dma_start3A_20 = arith.constant 0 : i32
    %dma_start3A_21 = tpu.memref_slice %arg11[%dma_start3A_19, %dma_start3A_20] : memref<4096x128xf32, #tpu.memory_space<vmem_shared>> -> memref<4096x128xf32, #tpu.memory_space<vmem_shared>>
    tpu.enqueue_indirect_dma source(%dma_start3A_21 : memref<4096x128xf32, #tpu.memory_space<vmem_shared>>) target(%arg8 : memref<224x128xf32, #tpu.memory_space<vmem>>) offsets(%dma_start3A_18 : memref<224xi32, #tpu.memory_space<vmem>>) semaphore(%arg13 : memref<!tpu.dma_semaphore, #tpu.memory_space<semaphore_mem>>)
    %scan3A = arith.constant 0 : i32
    %scan3A_22 = arith.constant 0 : i32
    %scan3A_23 = arith.constant 64 : i32
    %scan3A_24 = arith.addi %scan3A_22, %scan3A_23 : i32
    %scan3A_25 = arith.constant 1 : i32
    scf.for %scan3A_296 = %scan3A_22 to %scan3A_24 step %scan3A_25  : i32 {
      %broadcast_in_dim3A_297 = arith.constant 0 : i32
      %broadcast_in_dim3A_298 = vector.broadcast %broadcast_in_dim3A_297 : i32 to vector<16xi32>
      %mul3A_299 = arith.constant 4 : i32
      %mul3A_300 = arith.muli %scan3A_296, %mul3A_299 : i32
      %add3A_301 = arith.constant 0 : i32
      %add3A_302 = arith.addi %mul3A_300, %add3A_301 : i32
      %mul3A_303 = arith.constant 16 : i32
      %mul3A_304 = arith.muli %add3A_302, %mul3A_303 : i32
      %swap3A = arith.index_cast %mul3A_304 : i32 to index
      %swap3A_305 = tpu.vector_load %arg10[%swap3A] {strides = array<i32>} : memref<4096xi32, #tpu.memory_space<vmem>>, vector<16xi32>,
      tpu.vector_store %arg10[%swap3A], %broadcast_in_dim3A_298 {strides = array<i32>} : memref<4096xi32, #tpu.memory_space<vmem>>, vector<16xi32>,
      %broadcast_in_dim3A_306 = arith.constant 0 : i32
      %broadcast_in_dim3A_307 = vector.broadcast %broadcast_in_dim3A_306 : i32 to vector<16xi32>
      %mul3A_308 = arith.constant 4 : i32
      %mul3A_309 = arith.muli %scan3A_296, %mul3A_308 : i32
      %add3A_310 = arith.constant 1 : i32
      %add3A_311 = arith.addi %mul3A_309, %add3A_310 : i32
      %mul3A_312 = arith.constant 16 : i32
      %mul3A_313 = arith.muli %add3A_311, %mul3A_312 : i32
      %swap3A_314 = arith.index_cast %mul3A_313 : i32 to index
      %swap3A_315 = tpu.vector_load %arg10[%swap3A_314] {strides = array<i32>} : memref<4096xi32, #tpu.memory_space<vmem>>, vector<16xi32>,
      tpu.vector_store %arg10[%swap3A_314], %broadcast_in_dim3A_307 {strides = array<i32>} : memref<4096xi32, #tpu.memory_space<vmem>>, vector<16xi32>,
      %broadcast_in_dim3A_316 = arith.constant 0 : i32
      %broadcast_in_dim3A_317 = vector.broadcast %broadcast_in_dim3A_316 : i32 to vector<16xi32>
      %mul3A_318 = arith.constant 4 : i32
      %mul3A_319 = arith.muli %scan3A_296, %mul3A_318 : i32
      %add3A_320 = arith.constant 2 : i32
      %add3A_321 = arith.addi %mul3A_319, %add3A_320 : i32
      %mul3A_322 = arith.constant 16 : i32
      %mul3A_323 = arith.muli %add3A_321, %mul3A_322 : i32
      %swap3A_324 = arith.index_cast %mul3A_323 : i32 to index
      %swap3A_325 = tpu.vector_load %arg10[%swap3A_324] {strides = array<i32>} : memref<4096xi32, #tpu.memory_space<vmem>>, vector<16xi32>,
      tpu.vector_store %arg10[%swap3A_324], %broadcast_in_dim3A_317 {strides = array<i32>} : memref<4096xi32, #tpu.memory_space<vmem>>, vector<16xi32>,
      %broadcast_in_dim3A_326 = arith.constant 0 : i32
      %broadcast_in_dim3A_327 = vector.broadcast %broadcast_in_dim3A_326 : i32 to vector<16xi32>
      %mul3A_328 = arith.constant 4 : i32
      %mul3A_329 = arith.muli %scan3A_296, %mul3A_328 : i32
      %add3A_330 = arith.constant 3 : i32
      %add3A_331 = arith.addi %mul3A_329, %add3A_330 : i32
      %mul3A_332 = arith.constant 16 : i32
      %mul3A_333 = arith.muli %add3A_331, %mul3A_332 : i32
      %swap3A_334 = arith.index_cast %mul3A_333 : i32 to index
      %swap3A_335 = tpu.vector_load %arg10[%swap3A_334] {strides = array<i32>} : memref<4096xi32, #tpu.memory_space<vmem>>, vector<16xi32>,
      tpu.vector_store %arg10[%swap3A_334], %broadcast_in_dim3A_327 {strides = array<i32>} : memref<4096xi32, #tpu.memory_space<vmem>>, vector<16xi32>,
    }
    %scan3A_26 = arith.constant 64 : i32
    %iota3A = tpu.iota {dimensions = array<i32: 0>} : vector<16xi32>
    %broadcast_in_dim3A = arith.constant 1 : i32
    %broadcast_in_dim3A_27 = vector.broadcast %broadcast_in_dim3A : i32 to vector<16xi32>
    %scan3A_28 = arith.constant 0 : i32
    %scan3A_29 = arith.constant 0 : i32
    %scan3A_30 = arith.constant 98 : i32
    %scan3A_31 = arith.addi %scan3A_29, %scan3A_30 : i32
    %scan3A_32 = arith.constant 1 : i32
    scf.for %scan3A_296 = %scan3A_29 to %scan3A_31 step %scan3A_32  : i32 {
      %mul3A_297 = arith.constant 2 : i32
      %mul3A_298 = arith.muli %scan3A_296, %mul3A_297 : i32
      %add3A_299 = arith.constant 0 : i32
      %add3A_300 = arith.addi %mul3A_298, %add3A_299 : i32
      %mul3A_301 = arith.constant 16 : i32
      %mul3A_302 = arith.muli %add3A_300, %mul3A_301 : i32
      %get3A = arith.index_cast %mul3A_302 : i32 to index
      %get3A_303 = tpu.vector_load %arg6[%get3A] {strides = array<i32>} : memref<3136xi32, #tpu.memory_space<vmem>>, vector<16xi32>,
      %mul3A_304 = arith.constant 16 : i32
      %mul3A_305 = arith.muli %add3A_300, %mul3A_304 : i32
      %add3A_306 = arith.addi %mul3A_2, %mul3A_305 : i32
      %add3A_307 = vector.broadcast %add3A_306 : i32 to vector<16xi32>
      %add3A_308 = arith.addi %add3A_307, %iota3A : vector<16xi32>
      %lt3A = arith.constant 100000 : i32
      %lt3A_309 = vector.broadcast %lt3A : i32 to vector<16xi32>
      %lt3A_310 = arith.cmpi slt, %add3A_308, %lt3A_309 : vector<16xi32>
      tpu.vector_store_idx %arg10[%get3A_303], %broadcast_in_dim3A_27 masked %lt3A_310 {add = true} : memref<4096xi32, #tpu.memory_space<vmem>>[vector<16xi32>], vector<16xi32>, vector<16xi1>
      %mul3A_311 = arith.constant 2 : i32
      %mul3A_312 = arith.muli %scan3A_296, %mul3A_311 : i32
      %add3A_313 = arith.constant 1 : i32
      %add3A_314 = arith.addi %mul3A_312, %add3A_313 : i32
      %mul3A_315 = arith.constant 16 : i32
      %mul3A_316 = arith.muli %add3A_314, %mul3A_315 : i32
      %get3A_317 = arith.index_cast %mul3A_316 : i32 to index
      %get3A_318 = tpu.vector_load %arg6[%get3A_317] {strides = array<i32>} : memref<3136xi32, #tpu.memory_space<vmem>>, vector<16xi32>,
      %mul3A_319 = arith.constant 16 : i32
      %mul3A_320 = arith.muli %add3A_314, %mul3A_319 : i32
      %add3A_321 = arith.addi %mul3A_2, %mul3A_320 : i32
      %add3A_322 = vector.broadcast %add3A_321 : i32 to vector<16xi32>
      %add3A_323 = arith.addi %add3A_322, %iota3A : vector<16xi32>
      %lt3A_324 = arith.constant 100000 : i32
      %lt3A_325 = vector.broadcast %lt3A_324 : i32 to vector<16xi32>
      %lt3A_326 = arith.cmpi slt, %add3A_323, %lt3A_325 : vector<16xi32>
      tpu.vector_store_idx %arg10[%get3A_318], %broadcast_in_dim3A_27 masked %lt3A_326 {add = true} : memref<4096xi32, #tpu.memory_space<vmem>>[vector<16xi32>], vector<16xi32>, vector<16xi1>
    }
    %scan3A_33 = arith.constant 98 : i32
    "tpu.region"() ({
      %run_scoped3A = tpu.sem_alloc : memref<!tpu.dma_semaphore, #tpu.memory_space<semaphore_mem>>
      %dma_start3A_296 = arith.constant 0 : i32
      %dma_start3A_297 = tpu.memref_slice %arg5[%add3A, %dma_start3A_296] : memref<32x4096xi32, #tpu.memory_space<hbm>> -> memref<1x4096xi32, #tpu.memory_space<hbm>>
      %dma_start3A_298 = tpu.memref_squeeze %dma_start3A_297 : memref<1x4096xi32, #tpu.memory_space<hbm>> -> memref<4096xi32, #tpu.memory_space<hbm>>
      %dma_start3A_299 = arith.constant 0 : i32
      %dma_start3A_300 = tpu.memref_slice %arg5[%add3A, %dma_start3A_299] : memref<32x4096xi32, #tpu.memory_space<hbm>> -> memref<1x4096xi32, #tpu.memory_space<hbm>>
      %dma_start3A_301 = tpu.memref_squeeze %dma_start3A_300 : memref<1x4096xi32, #tpu.memory_space<hbm>> -> memref<4096xi32, #tpu.memory_space<hbm>>
      tpu.enqueue_dma source(%arg10 : memref<4096xi32, #tpu.memory_space<vmem>>) target(%dma_start3A_301 : memref<4096xi32, #tpu.memory_space<hbm>>) target_semaphore(%run_scoped3A : memref<!tpu.dma_semaphore, #tpu.memory_space<semaphore_mem>>)
      %dma_wait3A_302 = arith.constant 0 : i32
      %dma_wait3A_303 = tpu.memref_slice %arg5[%add3A, %dma_wait3A_302] : memref<32x4096xi32, #tpu.memory_space<hbm>> -> memref<1x4096xi32, #tpu.memory_space<hbm>>
      %dma_wait3A_304 = tpu.memref_squeeze %dma_wait3A_303 : memref<1x4096xi32, #tpu.memory_space<hbm>> -> memref<4096xi32, #tpu.memory_space<hbm>>
      %dma_wait3A_305 = arith.constant 0 : i32
      %dma_wait3A_306 = tpu.memref_slice %arg5[%add3A, %dma_wait3A_305] : memref<32x4096xi32, #tpu.memory_space<hbm>> -> memref<1x4096xi32, #tpu.memory_space<hbm>>
      %dma_wait3A_307 = tpu.memref_squeeze %dma_wait3A_306 : memref<1x4096xi32, #tpu.memory_space<hbm>> -> memref<4096xi32, #tpu.memory_space<hbm>>
      tpu.wait_dma2 semaphore(%run_scoped3A : memref<!tpu.dma_semaphore, #tpu.memory_space<semaphore_mem>>) src(%arg10 : memref<4096xi32, #tpu.memory_space<vmem>>) dst(%dma_wait3A_307 : memref<4096xi32, #tpu.memory_space<hbm>>)
      tpu.yield
    }) : () -> ()
    %dma_wait3A = arith.constant 0 : i32
    %dma_wait3A_34 = tpu.memref_slice %arg6[%dma_wait3A] : memref<3136xi32, #tpu.memory_space<vmem>> -> memref<224xi32, #tpu.memory_space<vmem>>
    %dma_wait3A_35 = arith.constant 0 : i32
    %dma_wait3A_36 = arith.constant 0 : i32
    %dma_wait3A_37 = tpu.memref_slice %arg11[%dma_wait3A_35, %dma_wait3A_36] : memref<4096x128xf32, #tpu.memory_space<vmem_shared>> -> memref<4096x128xf32, #tpu.memory_space<vmem_shared>>
    tpu.wait_indirect_dma semaphore(%arg12 : memref<!tpu.dma_semaphore, #tpu.memory_space<semaphore_mem>>) src(%dma_wait3A_37 : memref<4096x128xf32, #tpu.memory_space<vmem_shared>>) dst(%arg7 : memref<224x128xf32, #tpu.memory_space<vmem>>)
    %add3A_38 = arith.constant 0 : i32
    %add3A_39 = arith.addi %mul3A_2, %add3A_38 : i32
    %dma_start3A_40 = arith.constant 0 : i32
    %dma_start3A_41 = tpu.memref_slice %arg4[%add3A_39, %dma_start3A_40] : memref<100000x128xf32, #tpu.memory_space<hbm>> -> memref<224x128xf32, #tpu.memory_space<hbm>>
    %dma_start3A_42 = arith.constant 0 : i32
    %dma_start3A_43 = tpu.memref_slice %arg4[%add3A_39, %dma_start3A_42] : memref<100000x128xf32, #tpu.memory_space<hbm>> -> memref<224x128xf32, #tpu.memory_space<hbm>>
    tpu.enqueue_dma source(%arg7 : memref<224x128xf32, #tpu.memory_space<vmem>>) target(%dma_start3A_43 : memref<224x128xf32, #tpu.memory_space<hbm>>) target_semaphore(%arg15 : memref<!tpu.dma_semaphore, #tpu.memory_space<semaphore_mem>>)
    %dma_start3A_44 = arith.constant 448 : i32
    %dma_start3A_45 = tpu.memref_slice %arg6[%dma_start3A_44] : memref<3136xi32, #tpu.memory_space<vmem>> -> memref<224xi32, #tpu.memory_space<vmem>>
    %dma_start3A_46 = arith.constant 0 : i32
    %dma_start3A_47 = arith.constant 0 : i32
    %dma_start3A_48 = tpu.memref_slice %arg11[%dma_start3A_46, %dma_start3A_47] : memref<4096x128xf32, #tpu.memory_space<vmem_shared>> -> memref<4096x128xf32, #tpu.memory_space<vmem_shared>>
    tpu.enqueue_indirect_dma source(%dma_start3A_48 : memref<4096x128xf32, #tpu.memory_space<vmem_shared>>) target(%arg9 : memref<224x128xf32, #tpu.memory_space<vmem>>) offsets(%dma_start3A_45 : memref<224xi32, #tpu.memory_space<vmem>>) semaphore(%arg14 : memref<!tpu.dma_semaphore, #tpu.memory_space<semaphore_mem>>)
    %dma_wait3A_49 = arith.constant 224 : i32
    %dma_wait3A_50 = tpu.memref_slice %arg6[%dma_wait3A_49] : memref<3136xi32, #tpu.memory_space<vmem>> -> memref<224xi32, #tpu.memory_space<vmem>>
    %dma_wait3A_51 = arith.constant 0 : i32
    %dma_wait3A_52 = arith.constant 0 : i32
    %dma_wait3A_53 = tpu.memref_slice %arg11[%dma_wait3A_51, %dma_wait3A_52] : memref<4096x128xf32, #tpu.memory_space<vmem_shared>> -> memref<4096x128xf32, #tpu.memory_space<vmem_shared>>
    tpu.wait_indirect_dma semaphore(%arg13 : memref<!tpu.dma_semaphore, #tpu.memory_space<semaphore_mem>>) src(%dma_wait3A_53 : memref<4096x128xf32, #tpu.memory_space<vmem_shared>>) dst(%arg8 : memref<224x128xf32, #tpu.memory_space<vmem>>)
    %add3A_54 = arith.constant 224 : i32
    %add3A_55 = arith.addi %mul3A_2, %add3A_54 : i32
    %dma_start3A_56 = arith.constant 0 : i32
    %dma_start3A_57 = tpu.memref_slice %arg4[%add3A_55, %dma_start3A_56] : memref<100000x128xf32, #tpu.memory_space<hbm>> -> memref<224x128xf32, #tpu.memory_space<hbm>>
    %dma_start3A_58 = arith.constant 0 : i32
    %dma_start3A_59 = tpu.memref_slice %arg4[%add3A_55, %dma_start3A_58] : memref<100000x128xf32, #tpu.memory_space<hbm>> -> memref<224x128xf32, #tpu.memory_space<hbm>>
    tpu.enqueue_dma source(%arg8 : memref<224x128xf32, #tpu.memory_space<vmem>>) target(%dma_start3A_59 : memref<224x128xf32, #tpu.memory_space<hbm>>) target_semaphore(%arg16 : memref<!tpu.dma_semaphore, #tpu.memory_space<semaphore_mem>>)
    %dma_wait3A_60 = arith.constant 0 : i32
    %dma_wait3A_61 = tpu.memref_slice %arg4[%add3A_39, %dma_wait3A_60] : memref<100000x128xf32, #tpu.memory_space<hbm>> -> memref<224x128xf32, #tpu.memory_space<hbm>>
    %dma_wait3A_62 = arith.constant 0 : i32
    %dma_wait3A_63 = tpu.memref_slice %arg4[%add3A_39, %dma_wait3A_62] : memref<100000x128xf32, #tpu.memory_space<hbm>> -> memref<224x128xf32, #tpu.memory_space<hbm>>
    tpu.wait_dma2 semaphore(%arg15 : memref<!tpu.dma_semaphore, #tpu.memory_space<semaphore_mem>>) src(%arg7 : memref<224x128xf32, #tpu.memory_space<vmem>>) dst(%dma_wait3A_63 : memref<224x128xf32, #tpu.memory_space<hbm>>)
    %dma_start3A_64 = arith.constant 672 : i32
    %dma_start3A_65 = tpu.memref_slice %arg6[%dma_start3A_64] : memref<3136xi32, #tpu.memory_space<vmem>> -> memref<224xi32, #tpu.memory_space<vmem>>
    %dma_start3A_66 = arith.constant 0 : i32
    %dma_start3A_67 = arith.constant 0 : i32
    %dma_start3A_68 = tpu.memref_slice %arg11[%dma_start3A_66, %dma_start3A_67] : memref<4096x128xf32, #tpu.memory_space<vmem_shared>> -> memref<4096x128xf32, #tpu.memory_space<vmem_shared>>
    tpu.enqueue_indirect_dma source(%dma_start3A_68 : memref<4096x128xf32, #tpu.memory_space<vmem_shared>>) target(%arg7 : memref<224x128xf32, #tpu.memory_space<vmem>>) offsets(%dma_start3A_65 : memref<224xi32, #tpu.memory_space<vmem>>) semaphore(%arg12 : memref<!tpu.dma_semaphore, #tpu.memory_space<semaphore_mem>>)
    %dma_wait3A_69 = arith.constant 448 : i32
    %dma_wait3A_70 = tpu.memref_slice %arg6[%dma_wait3A_69] : memref<3136xi32, #tpu.memory_space<vmem>> -> memref<224xi32, #tpu.memory_space<vmem>>
    %dma_wait3A_71 = arith.constant 0 : i32
    %dma_wait3A_72 = arith.constant 0 : i32
    %dma_wait3A_73 = tpu.memref_slice %arg11[%dma_wait3A_71, %dma_wait3A_72] : memref<4096x128xf32, #tpu.memory_space<vmem_shared>> -> memref<4096x128xf32, #tpu.memory_space<vmem_shared>>
    tpu.wait_indirect_dma semaphore(%arg14 : memref<!tpu.dma_semaphore, #tpu.memory_space<semaphore_mem>>) src(%dma_wait3A_73 : memref<4096x128xf32, #tpu.memory_space<vmem_shared>>) dst(%arg9 : memref<224x128xf32, #tpu.memory_space<vmem>>)
    %add3A_74 = arith.constant 448 : i32
    %add3A_75 = arith.addi %mul3A_2, %add3A_74 : i32
    %dma_start3A_76 = arith.constant 0 : i32
    %dma_start3A_77 = tpu.memref_slice %arg4[%add3A_75, %dma_start3A_76] : memref<100000x128xf32, #tpu.memory_space<hbm>> -> memref<224x128xf32, #tpu.memory_space<hbm>>
    %dma_start3A_78 = arith.constant 0 : i32
    %dma_start3A_79 = tpu.memref_slice %arg4[%add3A_75, %dma_start3A_78] : memref<100000x128xf32, #tpu.memory_space<hbm>> -> memref<224x128xf32, #tpu.memory_space<hbm>>
    tpu.enqueue_dma source(%arg9 : memref<224x128xf32, #tpu.memory_space<vmem>>) target(%dma_start3A_79 : memref<224x128xf32, #tpu.memory_space<hbm>>) target_semaphore(%arg17 : memref<!tpu.dma_semaphore, #tpu.memory_space<semaphore_mem>>)
    %dma_wait3A_80 = arith.constant 0 : i32
    %dma_wait3A_81 = tpu.memref_slice %arg4[%add3A_55, %dma_wait3A_80] : memref<100000x128xf32, #tpu.memory_space<hbm>> -> memref<224x128xf32, #tpu.memory_space<hbm>>
    %dma_wait3A_82 = arith.constant 0 : i32
    %dma_wait3A_83 = tpu.memref_slice %arg4[%add3A_55, %dma_wait3A_82] : memref<100000x128xf32, #tpu.memory_space<hbm>> -> memref<224x128xf32, #tpu.memory_space<hbm>>
    tpu.wait_dma2 semaphore(%arg16 : memref<!tpu.dma_semaphore, #tpu.memory_space<semaphore_mem>>) src(%arg8 : memref<224x128xf32, #tpu.memory_space<vmem>>) dst(%dma_wait3A_83 : memref<224x128xf32, #tpu.memory_space<hbm>>)
    %dma_start3A_84 = arith.constant 896 : i32
    %dma_start3A_85 = tpu.memref_slice %arg6[%dma_start3A_84] : memref<3136xi32, #tpu.memory_space<vmem>> -> memref<224xi32, #tpu.memory_space<vmem>>
    %dma_start3A_86 = arith.constant 0 : i32
    %dma_start3A_87 = arith.constant 0 : i32
    %dma_start3A_88 = tpu.memref_slice %arg11[%dma_start3A_86, %dma_start3A_87] : memref<4096x128xf32, #tpu.memory_space<vmem_shared>> -> memref<4096x128xf32, #tpu.memory_space<vmem_shared>>
    tpu.enqueue_indirect_dma source(%dma_start3A_88 : memref<4096x128xf32, #tpu.memory_space<vmem_shared>>) target(%arg8 : memref<224x128xf32, #tpu.memory_space<vmem>>) offsets(%dma_start3A_85 : memref<224xi32, #tpu.memory_space<vmem>>) semaphore(%arg13 : memref<!tpu.dma_semaphore, #tpu.memory_space<semaphore_mem>>)
    %dma_wait3A_89 = arith.constant 672 : i32
    %dma_wait3A_90 = tpu.memref_slice %arg6[%dma_wait3A_89] : memref<3136xi32, #tpu.memory_space<vmem>> -> memref<224xi32, #tpu.memory_space<vmem>>
    %dma_wait3A_91 = arith.constant 0 : i32
    %dma_wait3A_92 = arith.constant 0 : i32
    %dma_wait3A_93 = tpu.memref_slice %arg11[%dma_wait3A_91, %dma_wait3A_92] : memref<4096x128xf32, #tpu.memory_space<vmem_shared>> -> memref<4096x128xf32, #tpu.memory_space<vmem_shared>>
    tpu.wait_indirect_dma semaphore(%arg12 : memref<!tpu.dma_semaphore, #tpu.memory_space<semaphore_mem>>) src(%dma_wait3A_93 : memref<4096x128xf32, #tpu.memory_space<vmem_shared>>) dst(%arg7 : memref<224x128xf32, #tpu.memory_space<vmem>>)
    %add3A_94 = arith.constant 672 : i32
    %add3A_95 = arith.addi %mul3A_2, %add3A_94 : i32
    %dma_start3A_96 = arith.constant 0 : i32
    %dma_start3A_97 = tpu.memref_slice %arg4[%add3A_95, %dma_start3A_96] : memref<100000x128xf32, #tpu.memory_space<hbm>> -> memref<224x128xf32, #tpu.memory_space<hbm>>
    %dma_start3A_98 = arith.constant 0 : i32
    %dma_start3A_99 = tpu.memref_slice %arg4[%add3A_95, %dma_start3A_98] : memref<100000x128xf32, #tpu.memory_space<hbm>> -> memref<224x128xf32, #tpu.memory_space<hbm>>
    tpu.enqueue_dma source(%arg7 : memref<224x128xf32, #tpu.memory_space<vmem>>) target(%dma_start3A_99 : memref<224x128xf32, #tpu.memory_space<hbm>>) target_semaphore(%arg15 : memref<!tpu.dma_semaphore, #tpu.memory_space<semaphore_mem>>)
    %dma_wait3A_100 = arith.constant 0 : i32
    %dma_wait3A_101 = tpu.memref_slice %arg4[%add3A_75, %dma_wait3A_100] : memref<100000x128xf32, #tpu.memory_space<hbm>> -> memref<224x128xf32, #tpu.memory_space<hbm>>
    %dma_wait3A_102 = arith.constant 0 : i32
    %dma_wait3A_103 = tpu.memref_slice %arg4[%add3A_75, %dma_wait3A_102] : memref<100000x128xf32, #tpu.memory_space<hbm>> -> memref<224x128xf32, #tpu.memory_space<hbm>>
    tpu.wait_dma2 semaphore(%arg17 : memref<!tpu.dma_semaphore, #tpu.memory_space<semaphore_mem>>) src(%arg9 : memref<224x128xf32, #tpu.memory_space<vmem>>) dst(%dma_wait3A_103 : memref<224x128xf32, #tpu.memory_space<hbm>>)
    %dma_start3A_104 = arith.constant 1120 : i32
    %dma_start3A_105 = tpu.memref_slice %arg6[%dma_start3A_104] : memref<3136xi32, #tpu.memory_space<vmem>> -> memref<224xi32, #tpu.memory_space<vmem>>
    %dma_start3A_106 = arith.constant 0 : i32
    %dma_start3A_107 = arith.constant 0 : i32
    %dma_start3A_108 = tpu.memref_slice %arg11[%dma_start3A_106, %dma_start3A_107] : memref<4096x128xf32, #tpu.memory_space<vmem_shared>> -> memref<4096x128xf32, #tpu.memory_space<vmem_shared>>
    tpu.enqueue_indirect_dma source(%dma_start3A_108 : memref<4096x128xf32, #tpu.memory_space<vmem_shared>>) target(%arg9 : memref<224x128xf32, #tpu.memory_space<vmem>>) offsets(%dma_start3A_105 : memref<224xi32, #tpu.memory_space<vmem>>) semaphore(%arg14 : memref<!tpu.dma_semaphore, #tpu.memory_space<semaphore_mem>>)
    %dma_wait3A_109 = arith.constant 896 : i32
    %dma_wait3A_110 = tpu.memref_slice %arg6[%dma_wait3A_109] : memref<3136xi32, #tpu.memory_space<vmem>> -> memref<224xi32, #tpu.memory_space<vmem>>
    %dma_wait3A_111 = arith.constant 0 : i32
    %dma_wait3A_112 = arith.constant 0 : i32
    %dma_wait3A_113 = tpu.memref_slice %arg11[%dma_wait3A_111, %dma_wait3A_112] : memref<4096x128xf32, #tpu.memory_space<vmem_shared>> -> memref<4096x128xf32, #tpu.memory_space<vmem_shared>>
    tpu.wait_indirect_dma semaphore(%arg13 : memref<!tpu.dma_semaphore, #tpu.memory_space<semaphore_mem>>) src(%dma_wait3A_113 : memref<4096x128xf32, #tpu.memory_space<vmem_shared>>) dst(%arg8 : memref<224x128xf32, #tpu.memory_space<vmem>>)
    %add3A_114 = arith.constant 896 : i32
    %add3A_115 = arith.addi %mul3A_2, %add3A_114 : i32
    %dma_start3A_116 = arith.constant 0 : i32
    %dma_start3A_117 = tpu.memref_slice %arg4[%add3A_115, %dma_start3A_116] : memref<100000x128xf32, #tpu.memory_space<hbm>> -> memref<224x128xf32, #tpu.memory_space<hbm>>
    %dma_start3A_118 = arith.constant 0 : i32
    %dma_start3A_119 = tpu.memref_slice %arg4[%add3A_115, %dma_start3A_118] : memref<100000x128xf32, #tpu.memory_space<hbm>> -> memref<224x128xf32, #tpu.memory_space<hbm>>
    tpu.enqueue_dma source(%arg8 : memref<224x128xf32, #tpu.memory_space<vmem>>) target(%dma_start3A_119 : memref<224x128xf32, #tpu.memory_space<hbm>>) target_semaphore(%arg16 : memref<!tpu.dma_semaphore, #tpu.memory_space<semaphore_mem>>)
    %dma_wait3A_120 = arith.constant 0 : i32
    %dma_wait3A_121 = tpu.memref_slice %arg4[%add3A_95, %dma_wait3A_120] : memref<100000x128xf32, #tpu.memory_space<hbm>> -> memref<224x128xf32, #tpu.memory_space<hbm>>
    %dma_wait3A_122 = arith.constant 0 : i32
    %dma_wait3A_123 = tpu.memref_slice %arg4[%add3A_95, %dma_wait3A_122] : memref<100000x128xf32, #tpu.memory_space<hbm>> -> memref<224x128xf32, #tpu.memory_space<hbm>>
    tpu.wait_dma2 semaphore(%arg15 : memref<!tpu.dma_semaphore, #tpu.memory_space<semaphore_mem>>) src(%arg7 : memref<224x128xf32, #tpu.memory_space<vmem>>) dst(%dma_wait3A_123 : memref<224x128xf32, #tpu.memory_space<hbm>>)
    %dma_start3A_124 = arith.constant 1344 : i32
    %dma_start3A_125 = tpu.memref_slice %arg6[%dma_start3A_124] : memref<3136xi32, #tpu.memory_space<vmem>> -> memref<224xi32, #tpu.memory_space<vmem>>
    %dma_start3A_126 = arith.constant 0 : i32
    %dma_start3A_127 = arith.constant 0 : i32
    %dma_start3A_128 = tpu.memref_slice %arg11[%dma_start3A_126, %dma_start3A_127] : memref<4096x128xf32, #tpu.memory_space<vmem_shared>> -> memref<4096x128xf32, #tpu.memory_space<vmem_shared>>
    tpu.enqueue_indirect_dma source(%dma_start3A_128 : memref<4096x128xf32, #tpu.memory_space<vmem_shared>>) target(%arg7 : memref<224x128xf32, #tpu.memory_space<vmem>>) offsets(%dma_start3A_125 : memref<224xi32, #tpu.memory_space<vmem>>) semaphore(%arg12 : memref<!tpu.dma_semaphore, #tpu.memory_space<semaphore_mem>>)
    %dma_wait3A_129 = arith.constant 1120 : i32
    %dma_wait3A_130 = tpu.memref_slice %arg6[%dma_wait3A_129] : memref<3136xi32, #tpu.memory_space<vmem>> -> memref<224xi32, #tpu.memory_space<vmem>>
    %dma_wait3A_131 = arith.constant 0 : i32
    %dma_wait3A_132 = arith.constant 0 : i32
    %dma_wait3A_133 = tpu.memref_slice %arg11[%dma_wait3A_131, %dma_wait3A_132] : memref<4096x128xf32, #tpu.memory_space<vmem_shared>> -> memref<4096x128xf32, #tpu.memory_space<vmem_shared>>
    tpu.wait_indirect_dma semaphore(%arg14 : memref<!tpu.dma_semaphore, #tpu.memory_space<semaphore_mem>>) src(%dma_wait3A_133 : memref<4096x128xf32, #tpu.memory_space<vmem_shared>>) dst(%arg9 : memref<224x128xf32, #tpu.memory_space<vmem>>)
    %add3A_134 = arith.constant 1120 : i32
    %add3A_135 = arith.addi %mul3A_2, %add3A_134 : i32
    %dma_start3A_136 = arith.constant 0 : i32
    %dma_start3A_137 = tpu.memref_slice %arg4[%add3A_135, %dma_start3A_136] : memref<100000x128xf32, #tpu.memory_space<hbm>> -> memref<224x128xf32, #tpu.memory_space<hbm>>
    %dma_start3A_138 = arith.constant 0 : i32
    %dma_start3A_139 = tpu.memref_slice %arg4[%add3A_135, %dma_start3A_138] : memref<100000x128xf32, #tpu.memory_space<hbm>> -> memref<224x128xf32, #tpu.memory_space<hbm>>
    tpu.enqueue_dma source(%arg9 : memref<224x128xf32, #tpu.memory_space<vmem>>) target(%dma_start3A_139 : memref<224x128xf32, #tpu.memory_space<hbm>>) target_semaphore(%arg17 : memref<!tpu.dma_semaphore, #tpu.memory_space<semaphore_mem>>)
    %dma_wait3A_140 = arith.constant 0 : i32
    %dma_wait3A_141 = tpu.memref_slice %arg4[%add3A_115, %dma_wait3A_140] : memref<100000x128xf32, #tpu.memory_space<hbm>> -> memref<224x128xf32, #tpu.memory_space<hbm>>
    %dma_wait3A_142 = arith.constant 0 : i32
    %dma_wait3A_143 = tpu.memref_slice %arg4[%add3A_115, %dma_wait3A_142] : memref<100000x128xf32, #tpu.memory_space<hbm>> -> memref<224x128xf32, #tpu.memory_space<hbm>>
    tpu.wait_dma2 semaphore(%arg16 : memref<!tpu.dma_semaphore, #tpu.memory_space<semaphore_mem>>) src(%arg8 : memref<224x128xf32, #tpu.memory_space<vmem>>) dst(%dma_wait3A_143 : memref<224x128xf32, #tpu.memory_space<hbm>>)
    %dma_start3A_144 = arith.constant 1568 : i32
    %dma_start3A_145 = tpu.memref_slice %arg6[%dma_start3A_144] : memref<3136xi32, #tpu.memory_space<vmem>> -> memref<224xi32, #tpu.memory_space<vmem>>
    %dma_start3A_146 = arith.constant 0 : i32
    %dma_start3A_147 = arith.constant 0 : i32
    %dma_start3A_148 = tpu.memref_slice %arg11[%dma_start3A_146, %dma_start3A_147] : memref<4096x128xf32, #tpu.memory_space<vmem_shared>> -> memref<4096x128xf32, #tpu.memory_space<vmem_shared>>
    tpu.enqueue_indirect_dma source(%dma_start3A_148 : memref<4096x128xf32, #tpu.memory_space<vmem_shared>>) target(%arg8 : memref<224x128xf32, #tpu.memory_space<vmem>>) offsets(%dma_start3A_145 : memref<224xi32, #tpu.memory_space<vmem>>) semaphore(%arg13 : memref<!tpu.dma_semaphore, #tpu.memory_space<semaphore_mem>>)
    %dma_wait3A_149 = arith.constant 1344 : i32
    %dma_wait3A_150 = tpu.memref_slice %arg6[%dma_wait3A_149] : memref<3136xi32, #tpu.memory_space<vmem>> -> memref<224xi32, #tpu.memory_space<vmem>>
    %dma_wait3A_151 = arith.constant 0 : i32
    %dma_wait3A_152 = arith.constant 0 : i32
    %dma_wait3A_153 = tpu.memref_slice %arg11[%dma_wait3A_151, %dma_wait3A_152] : memref<4096x128xf32, #tpu.memory_space<vmem_shared>> -> memref<4096x128xf32, #tpu.memory_space<vmem_shared>>
    tpu.wait_indirect_dma semaphore(%arg12 : memref<!tpu.dma_semaphore, #tpu.memory_space<semaphore_mem>>) src(%dma_wait3A_153 : memref<4096x128xf32, #tpu.memory_space<vmem_shared>>) dst(%arg7 : memref<224x128xf32, #tpu.memory_space<vmem>>)
    %add3A_154 = arith.constant 1344 : i32
    %add3A_155 = arith.addi %mul3A_2, %add3A_154 : i32
    %dma_start3A_156 = arith.constant 0 : i32
    %dma_start3A_157 = tpu.memref_slice %arg4[%add3A_155, %dma_start3A_156] : memref<100000x128xf32, #tpu.memory_space<hbm>> -> memref<224x128xf32, #tpu.memory_space<hbm>>
    %dma_start3A_158 = arith.constant 0 : i32
    %dma_start3A_159 = tpu.memref_slice %arg4[%add3A_155, %dma_start3A_158] : memref<100000x128xf32, #tpu.memory_space<hbm>> -> memref<224x128xf32, #tpu.memory_space<hbm>>
    tpu.enqueue_dma source(%arg7 : memref<224x128xf32, #tpu.memory_space<vmem>>) target(%dma_start3A_159 : memref<224x128xf32, #tpu.memory_space<hbm>>) target_semaphore(%arg15 : memref<!tpu.dma_semaphore, #tpu.memory_space<semaphore_mem>>)
    %dma_wait3A_160 = arith.constant 0 : i32
    %dma_wait3A_161 = tpu.memref_slice %arg4[%add3A_135, %dma_wait3A_160] : memref<100000x128xf32, #tpu.memory_space<hbm>> -> memref<224x128xf32, #tpu.memory_space<hbm>>
    %dma_wait3A_162 = arith.constant 0 : i32
    %dma_wait3A_163 = tpu.memref_slice %arg4[%add3A_135, %dma_wait3A_162] : memref<100000x128xf32, #tpu.memory_space<hbm>> -> memref<224x128xf32, #tpu.memory_space<hbm>>
    tpu.wait_dma2 semaphore(%arg17 : memref<!tpu.dma_semaphore, #tpu.memory_space<semaphore_mem>>) src(%arg9 : memref<224x128xf32, #tpu.memory_space<vmem>>) dst(%dma_wait3A_163 : memref<224x128xf32, #tpu.memory_space<hbm>>)
    %dma_start3A_164 = arith.constant 1792 : i32
    %dma_start3A_165 = tpu.memref_slice %arg6[%dma_start3A_164] : memref<3136xi32, #tpu.memory_space<vmem>> -> memref<224xi32, #tpu.memory_space<vmem>>
    %dma_start3A_166 = arith.constant 0 : i32
    %dma_start3A_167 = arith.constant 0 : i32
    %dma_start3A_168 = tpu.memref_slice %arg11[%dma_start3A_166, %dma_start3A_167] : memref<4096x128xf32, #tpu.memory_space<vmem_shared>> -> memref<4096x128xf32, #tpu.memory_space<vmem_shared>>
    tpu.enqueue_indirect_dma source(%dma_start3A_168 : memref<4096x128xf32, #tpu.memory_space<vmem_shared>>) target(%arg9 : memref<224x128xf32, #tpu.memory_space<vmem>>) offsets(%dma_start3A_165 : memref<224xi32, #tpu.memory_space<vmem>>) semaphore(%arg14 : memref<!tpu.dma_semaphore, #tpu.memory_space<semaphore_mem>>)
    %dma_wait3A_169 = arith.constant 1568 : i32
    %dma_wait3A_170 = tpu.memref_slice %arg6[%dma_wait3A_169] : memref<3136xi32, #tpu.memory_space<vmem>> -> memref<224xi32, #tpu.memory_space<vmem>>
    %dma_wait3A_171 = arith.constant 0 : i32
    %dma_wait3A_172 = arith.constant 0 : i32
    %dma_wait3A_173 = tpu.memref_slice %arg11[%dma_wait3A_171, %dma_wait3A_172] : memref<4096x128xf32, #tpu.memory_space<vmem_shared>> -> memref<4096x128xf32, #tpu.memory_space<vmem_shared>>
    tpu.wait_indirect_dma semaphore(%arg13 : memref<!tpu.dma_semaphore, #tpu.memory_space<semaphore_mem>>) src(%dma_wait3A_173 : memref<4096x128xf32, #tpu.memory_space<vmem_shared>>) dst(%arg8 : memref<224x128xf32, #tpu.memory_space<vmem>>)
    %add3A_174 = arith.constant 1568 : i32
    %add3A_175 = arith.addi %mul3A_2, %add3A_174 : i32
    %dma_start3A_176 = arith.constant 0 : i32
    %dma_start3A_177 = tpu.memref_slice %arg4[%add3A_175, %dma_start3A_176] : memref<100000x128xf32, #tpu.memory_space<hbm>> -> memref<224x128xf32, #tpu.memory_space<hbm>>
    %dma_start3A_178 = arith.constant 0 : i32
    %dma_start3A_179 = tpu.memref_slice %arg4[%add3A_175, %dma_start3A_178] : memref<100000x128xf32, #tpu.memory_space<hbm>> -> memref<224x128xf32, #tpu.memory_space<hbm>>
    tpu.enqueue_dma source(%arg8 : memref<224x128xf32, #tpu.memory_space<vmem>>) target(%dma_start3A_179 : memref<224x128xf32, #tpu.memory_space<hbm>>) target_semaphore(%arg16 : memref<!tpu.dma_semaphore, #tpu.memory_space<semaphore_mem>>)
    %dma_wait3A_180 = arith.constant 0 : i32
    %dma_wait3A_181 = tpu.memref_slice %arg4[%add3A_155, %dma_wait3A_180] : memref<100000x128xf32, #tpu.memory_space<hbm>> -> memref<224x128xf32, #tpu.memory_space<hbm>>
    %dma_wait3A_182 = arith.constant 0 : i32
    %dma_wait3A_183 = tpu.memref_slice %arg4[%add3A_155, %dma_wait3A_182] : memref<100000x128xf32, #tpu.memory_space<hbm>> -> memref<224x128xf32, #tpu.memory_space<hbm>>
    tpu.wait_dma2 semaphore(%arg15 : memref<!tpu.dma_semaphore, #tpu.memory_space<semaphore_mem>>) src(%arg7 : memref<224x128xf32, #tpu.memory_space<vmem>>) dst(%dma_wait3A_183 : memref<224x128xf32, #tpu.memory_space<hbm>>)
    %dma_start3A_184 = arith.constant 2016 : i32
    %dma_start3A_185 = tpu.memref_slice %arg6[%dma_start3A_184] : memref<3136xi32, #tpu.memory_space<vmem>> -> memref<224xi32, #tpu.memory_space<vmem>>
    %dma_start3A_186 = arith.constant 0 : i32
    %dma_start3A_187 = arith.constant 0 : i32
    %dma_start3A_188 = tpu.memref_slice %arg11[%dma_start3A_186, %dma_start3A_187] : memref<4096x128xf32, #tpu.memory_space<vmem_shared>> -> memref<4096x128xf32, #tpu.memory_space<vmem_shared>>
    tpu.enqueue_indirect_dma source(%dma_start3A_188 : memref<4096x128xf32, #tpu.memory_space<vmem_shared>>) target(%arg7 : memref<224x128xf32, #tpu.memory_space<vmem>>) offsets(%dma_start3A_185 : memref<224xi32, #tpu.memory_space<vmem>>) semaphore(%arg12 : memref<!tpu.dma_semaphore, #tpu.memory_space<semaphore_mem>>)
    %dma_wait3A_189 = arith.constant 1792 : i32
    %dma_wait3A_190 = tpu.memref_slice %arg6[%dma_wait3A_189] : memref<3136xi32, #tpu.memory_space<vmem>> -> memref<224xi32, #tpu.memory_space<vmem>>
    %dma_wait3A_191 = arith.constant 0 : i32
    %dma_wait3A_192 = arith.constant 0 : i32
    %dma_wait3A_193 = tpu.memref_slice %arg11[%dma_wait3A_191, %dma_wait3A_192] : memref<4096x128xf32, #tpu.memory_space<vmem_shared>> -> memref<4096x128xf32, #tpu.memory_space<vmem_shared>>
    tpu.wait_indirect_dma semaphore(%arg14 : memref<!tpu.dma_semaphore, #tpu.memory_space<semaphore_mem>>) src(%dma_wait3A_193 : memref<4096x128xf32, #tpu.memory_space<vmem_shared>>) dst(%arg9 : memref<224x128xf32, #tpu.memory_space<vmem>>)
    %add3A_194 = arith.constant 1792 : i32
    %add3A_195 = arith.addi %mul3A_2, %add3A_194 : i32
    %dma_start3A_196 = arith.constant 0 : i32
    %dma_start3A_197 = tpu.memref_slice %arg4[%add3A_195, %dma_start3A_196] : memref<100000x128xf32, #tpu.memory_space<hbm>> -> memref<224x128xf32, #tpu.memory_space<hbm>>
    %dma_start3A_198 = arith.constant 0 : i32
    %dma_start3A_199 = tpu.memref_slice %arg4[%add3A_195, %dma_start3A_198] : memref<100000x128xf32, #tpu.memory_space<hbm>> -> memref<224x128xf32, #tpu.memory_space<hbm>>
    tpu.enqueue_dma source(%arg9 : memref<224x128xf32, #tpu.memory_space<vmem>>) target(%dma_start3A_199 : memref<224x128xf32, #tpu.memory_space<hbm>>) target_semaphore(%arg17 : memref<!tpu.dma_semaphore, #tpu.memory_space<semaphore_mem>>)
    %dma_wait3A_200 = arith.constant 0 : i32
    %dma_wait3A_201 = tpu.memref_slice %arg4[%add3A_175, %dma_wait3A_200] : memref<100000x128xf32, #tpu.memory_space<hbm>> -> memref<224x128xf32, #tpu.memory_space<hbm>>
    %dma_wait3A_202 = arith.constant 0 : i32
    %dma_wait3A_203 = tpu.memref_slice %arg4[%add3A_175, %dma_wait3A_202] : memref<100000x128xf32, #tpu.memory_space<hbm>> -> memref<224x128xf32, #tpu.memory_space<hbm>>
    tpu.wait_dma2 semaphore(%arg16 : memref<!tpu.dma_semaphore, #tpu.memory_space<semaphore_mem>>) src(%arg8 : memref<224x128xf32, #tpu.memory_space<vmem>>) dst(%dma_wait3A_203 : memref<224x128xf32, #tpu.memory_space<hbm>>)
    %dma_start3A_204 = arith.constant 2240 : i32
    %dma_start3A_205 = tpu.memref_slice %arg6[%dma_start3A_204] : memref<3136xi32, #tpu.memory_space<vmem>> -> memref<224xi32, #tpu.memory_space<vmem>>
    %dma_start3A_206 = arith.constant 0 : i32
    %dma_start3A_207 = arith.constant 0 : i32
    %dma_start3A_208 = tpu.memref_slice %arg11[%dma_start3A_206, %dma_start3A_207] : memref<4096x128xf32, #tpu.memory_space<vmem_shared>> -> memref<4096x128xf32, #tpu.memory_space<vmem_shared>>
    tpu.enqueue_indirect_dma source(%dma_start3A_208 : memref<4096x128xf32, #tpu.memory_space<vmem_shared>>) target(%arg8 : memref<224x128xf32, #tpu.memory_space<vmem>>) offsets(%dma_start3A_205 : memref<224xi32, #tpu.memory_space<vmem>>) semaphore(%arg13 : memref<!tpu.dma_semaphore, #tpu.memory_space<semaphore_mem>>)
    %dma_wait3A_209 = arith.constant 2016 : i32
    %dma_wait3A_210 = tpu.memref_slice %arg6[%dma_wait3A_209] : memref<3136xi32, #tpu.memory_space<vmem>> -> memref<224xi32, #tpu.memory_space<vmem>>
    %dma_wait3A_211 = arith.constant 0 : i32
    %dma_wait3A_212 = arith.constant 0 : i32
    %dma_wait3A_213 = tpu.memref_slice %arg11[%dma_wait3A_211, %dma_wait3A_212] : memref<4096x128xf32, #tpu.memory_space<vmem_shared>> -> memref<4096x128xf32, #tpu.memory_space<vmem_shared>>
    tpu.wait_indirect_dma semaphore(%arg12 : memref<!tpu.dma_semaphore, #tpu.memory_space<semaphore_mem>>) src(%dma_wait3A_213 : memref<4096x128xf32, #tpu.memory_space<vmem_shared>>) dst(%arg7 : memref<224x128xf32, #tpu.memory_space<vmem>>)
    %add3A_214 = arith.constant 2016 : i32
    %add3A_215 = arith.addi %mul3A_2, %add3A_214 : i32
    %dma_start3A_216 = arith.constant 0 : i32
    %dma_start3A_217 = tpu.memref_slice %arg4[%add3A_215, %dma_start3A_216] : memref<100000x128xf32, #tpu.memory_space<hbm>> -> memref<224x128xf32, #tpu.memory_space<hbm>>
    %dma_start3A_218 = arith.constant 0 : i32
    %dma_start3A_219 = tpu.memref_slice %arg4[%add3A_215, %dma_start3A_218] : memref<100000x128xf32, #tpu.memory_space<hbm>> -> memref<224x128xf32, #tpu.memory_space<hbm>>
    tpu.enqueue_dma source(%arg7 : memref<224x128xf32, #tpu.memory_space<vmem>>) target(%dma_start3A_219 : memref<224x128xf32, #tpu.memory_space<hbm>>) target_semaphore(%arg15 : memref<!tpu.dma_semaphore, #tpu.memory_space<semaphore_mem>>)
    %dma_wait3A_220 = arith.constant 0 : i32
    %dma_wait3A_221 = tpu.memref_slice %arg4[%add3A_195, %dma_wait3A_220] : memref<100000x128xf32, #tpu.memory_space<hbm>> -> memref<224x128xf32, #tpu.memory_space<hbm>>
    %dma_wait3A_222 = arith.constant 0 : i32
    %dma_wait3A_223 = tpu.memref_slice %arg4[%add3A_195, %dma_wait3A_222] : memref<100000x128xf32, #tpu.memory_space<hbm>> -> memref<224x128xf32, #tpu.memory_space<hbm>>
    tpu.wait_dma2 semaphore(%arg17 : memref<!tpu.dma_semaphore, #tpu.memory_space<semaphore_mem>>) src(%arg9 : memref<224x128xf32, #tpu.memory_space<vmem>>) dst(%dma_wait3A_223 : memref<224x128xf32, #tpu.memory_space<hbm>>)
    %dma_start3A_224 = arith.constant 2464 : i32
    %dma_start3A_225 = tpu.memref_slice %arg6[%dma_start3A_224] : memref<3136xi32, #tpu.memory_space<vmem>> -> memref<224xi32, #tpu.memory_space<vmem>>
    %dma_start3A_226 = arith.constant 0 : i32
    %dma_start3A_227 = arith.constant 0 : i32
    %dma_start3A_228 = tpu.memref_slice %arg11[%dma_start3A_226, %dma_start3A_227] : memref<4096x128xf32, #tpu.memory_space<vmem_shared>> -> memref<4096x128xf32, #tpu.memory_space<vmem_shared>>
    tpu.enqueue_indirect_dma source(%dma_start3A_228 : memref<4096x128xf32, #tpu.memory_space<vmem_shared>>) target(%arg9 : memref<224x128xf32, #tpu.memory_space<vmem>>) offsets(%dma_start3A_225 : memref<224xi32, #tpu.memory_space<vmem>>) semaphore(%arg14 : memref<!tpu.dma_semaphore, #tpu.memory_space<semaphore_mem>>)
    %dma_wait3A_229 = arith.constant 2240 : i32
    %dma_wait3A_230 = tpu.memref_slice %arg6[%dma_wait3A_229] : memref<3136xi32, #tpu.memory_space<vmem>> -> memref<224xi32, #tpu.memory_space<vmem>>
    %dma_wait3A_231 = arith.constant 0 : i32
    %dma_wait3A_232 = arith.constant 0 : i32
    %dma_wait3A_233 = tpu.memref_slice %arg11[%dma_wait3A_231, %dma_wait3A_232] : memref<4096x128xf32, #tpu.memory_space<vmem_shared>> -> memref<4096x128xf32, #tpu.memory_space<vmem_shared>>
    tpu.wait_indirect_dma semaphore(%arg13 : memref<!tpu.dma_semaphore, #tpu.memory_space<semaphore_mem>>) src(%dma_wait3A_233 : memref<4096x128xf32, #tpu.memory_space<vmem_shared>>) dst(%arg8 : memref<224x128xf32, #tpu.memory_space<vmem>>)
    %add3A_234 = arith.constant 2240 : i32
    %add3A_235 = arith.addi %mul3A_2, %add3A_234 : i32
    %dma_start3A_236 = arith.constant 0 : i32
    %dma_start3A_237 = tpu.memref_slice %arg4[%add3A_235, %dma_start3A_236] : memref<100000x128xf32, #tpu.memory_space<hbm>> -> memref<224x128xf32, #tpu.memory_space<hbm>>
    %dma_start3A_238 = arith.constant 0 : i32
    %dma_start3A_239 = tpu.memref_slice %arg4[%add3A_235, %dma_start3A_238] : memref<100000x128xf32, #tpu.memory_space<hbm>> -> memref<224x128xf32, #tpu.memory_space<hbm>>
    tpu.enqueue_dma source(%arg8 : memref<224x128xf32, #tpu.memory_space<vmem>>) target(%dma_start3A_239 : memref<224x128xf32, #tpu.memory_space<hbm>>) target_semaphore(%arg16 : memref<!tpu.dma_semaphore, #tpu.memory_space<semaphore_mem>>)
    %dma_wait3A_240 = arith.constant 0 : i32
    %dma_wait3A_241 = tpu.memref_slice %arg4[%add3A_215, %dma_wait3A_240] : memref<100000x128xf32, #tpu.memory_space<hbm>> -> memref<224x128xf32, #tpu.memory_space<hbm>>
    %dma_wait3A_242 = arith.constant 0 : i32
    %dma_wait3A_243 = tpu.memref_slice %arg4[%add3A_215, %dma_wait3A_242] : memref<100000x128xf32, #tpu.memory_space<hbm>> -> memref<224x128xf32, #tpu.memory_space<hbm>>
    tpu.wait_dma2 semaphore(%arg15 : memref<!tpu.dma_semaphore, #tpu.memory_space<semaphore_mem>>) src(%arg7 : memref<224x128xf32, #tpu.memory_space<vmem>>) dst(%dma_wait3A_243 : memref<224x128xf32, #tpu.memory_space<hbm>>)
    %dma_start3A_244 = arith.constant 2688 : i32
    %dma_start3A_245 = tpu.memref_slice %arg6[%dma_start3A_244] : memref<3136xi32, #tpu.memory_space<vmem>> -> memref<224xi32, #tpu.memory_space<vmem>>
    %dma_start3A_246 = arith.constant 0 : i32
    %dma_start3A_247 = arith.constant 0 : i32
    %dma_start3A_248 = tpu.memref_slice %arg11[%dma_start3A_246, %dma_start3A_247] : memref<4096x128xf32, #tpu.memory_space<vmem_shared>> -> memref<4096x128xf32, #tpu.memory_space<vmem_shared>>
    tpu.enqueue_indirect_dma source(%dma_start3A_248 : memref<4096x128xf32, #tpu.memory_space<vmem_shared>>) target(%arg7 : memref<224x128xf32, #tpu.memory_space<vmem>>) offsets(%dma_start3A_245 : memref<224xi32, #tpu.memory_space<vmem>>) semaphore(%arg12 : memref<!tpu.dma_semaphore, #tpu.memory_space<semaphore_mem>>)
    %dma_wait3A_249 = arith.constant 2464 : i32
    %dma_wait3A_250 = tpu.memref_slice %arg6[%dma_wait3A_249] : memref<3136xi32, #tpu.memory_space<vmem>> -> memref<224xi32, #tpu.memory_space<vmem>>
    %dma_wait3A_251 = arith.constant 0 : i32
    %dma_wait3A_252 = arith.constant 0 : i32
    %dma_wait3A_253 = tpu.memref_slice %arg11[%dma_wait3A_251, %dma_wait3A_252] : memref<4096x128xf32, #tpu.memory_space<vmem_shared>> -> memref<4096x128xf32, #tpu.memory_space<vmem_shared>>
    tpu.wait_indirect_dma semaphore(%arg14 : memref<!tpu.dma_semaphore, #tpu.memory_space<semaphore_mem>>) src(%dma_wait3A_253 : memref<4096x128xf32, #tpu.memory_space<vmem_shared>>) dst(%arg9 : memref<224x128xf32, #tpu.memory_space<vmem>>)
    %add3A_254 = arith.constant 2464 : i32
    %add3A_255 = arith.addi %mul3A_2, %add3A_254 : i32
    %dma_start3A_256 = arith.constant 0 : i32
    %dma_start3A_257 = tpu.memref_slice %arg4[%add3A_255, %dma_start3A_256] : memref<100000x128xf32, #tpu.memory_space<hbm>> -> memref<224x128xf32, #tpu.memory_space<hbm>>
    %dma_start3A_258 = arith.constant 0 : i32
    %dma_start3A_259 = tpu.memref_slice %arg4[%add3A_255, %dma_start3A_258] : memref<100000x128xf32, #tpu.memory_space<hbm>> -> memref<224x128xf32, #tpu.memory_space<hbm>>
    tpu.enqueue_dma source(%arg9 : memref<224x128xf32, #tpu.memory_space<vmem>>) target(%dma_start3A_259 : memref<224x128xf32, #tpu.memory_space<hbm>>) target_semaphore(%arg17 : memref<!tpu.dma_semaphore, #tpu.memory_space<semaphore_mem>>)
    %dma_wait3A_260 = arith.constant 0 : i32
    %dma_wait3A_261 = tpu.memref_slice %arg4[%add3A_235, %dma_wait3A_260] : memref<100000x128xf32, #tpu.memory_space<hbm>> -> memref<224x128xf32, #tpu.memory_space<hbm>>
    %dma_wait3A_262 = arith.constant 0 : i32
    %dma_wait3A_263 = tpu.memref_slice %arg4[%add3A_235, %dma_wait3A_262] : memref<100000x128xf32, #tpu.memory_space<hbm>> -> memref<224x128xf32, #tpu.memory_space<hbm>>
    tpu.wait_dma2 semaphore(%arg16 : memref<!tpu.dma_semaphore, #tpu.memory_space<semaphore_mem>>) src(%arg8 : memref<224x128xf32, #tpu.memory_space<vmem>>) dst(%dma_wait3A_263 : memref<224x128xf32, #tpu.memory_space<hbm>>)
    %dma_start3A_264 = arith.constant 2912 : i32
    %dma_start3A_265 = tpu.memref_slice %arg6[%dma_start3A_264] : memref<3136xi32, #tpu.memory_space<vmem>> -> memref<224xi32, #tpu.memory_space<vmem>>
    %dma_start3A_266 = arith.constant 0 : i32
    %dma_start3A_267 = arith.constant 0 : i32
    %dma_start3A_268 = tpu.memref_slice %arg11[%dma_start3A_266, %dma_start3A_267] : memref<4096x128xf32, #tpu.memory_space<vmem_shared>> -> memref<4096x128xf32, #tpu.memory_space<vmem_shared>>
    tpu.enqueue_indirect_dma source(%dma_start3A_268 : memref<4096x128xf32, #tpu.memory_space<vmem_shared>>) target(%arg8 : memref<224x128xf32, #tpu.memory_space<vmem>>) offsets(%dma_start3A_265 : memref<224xi32, #tpu.memory_space<vmem>>) semaphore(%arg13 : memref<!tpu.dma_semaphore, #tpu.memory_space<semaphore_mem>>)
    %dma_wait3A_269 = arith.constant 2688 : i32
    %dma_wait3A_270 = tpu.memref_slice %arg6[%dma_wait3A_269] : memref<3136xi32, #tpu.memory_space<vmem>> -> memref<224xi32, #tpu.memory_space<vmem>>
    %dma_wait3A_271 = arith.constant 0 : i32
    %dma_wait3A_272 = arith.constant 0 : i32
    %dma_wait3A_273 = tpu.memref_slice %arg11[%dma_wait3A_271, %dma_wait3A_272] : memref<4096x128xf32, #tpu.memory_space<vmem_shared>> -> memref<4096x128xf32, #tpu.memory_space<vmem_shared>>
    tpu.wait_indirect_dma semaphore(%arg12 : memref<!tpu.dma_semaphore, #tpu.memory_space<semaphore_mem>>) src(%dma_wait3A_273 : memref<4096x128xf32, #tpu.memory_space<vmem_shared>>) dst(%arg7 : memref<224x128xf32, #tpu.memory_space<vmem>>)
    %not3A_274 = arith.constant true
    %not3A_275 = arith.xori %eq3A_3, %not3A_274 : i1
    %convert_element_type3A_276 = arith.extui %not3A_275 : i1 to i32
    %cond3A_277 = arith.constant 0 : i32
    %cond3A_278 = arith.cmpi ne, %convert_element_type3A_276, %cond3A_277 : i32
    scf.if %cond3A_278 {
      %add3A_296 = arith.constant 2688 : i32
      %add3A_297 = arith.addi %mul3A_2, %add3A_296 : i32
      "tpu.region"() ({
        %run_scoped3A = tpu.sem_alloc : memref<!tpu.dma_semaphore, #tpu.memory_space<semaphore_mem>>
        %dma_start3A_298 = arith.constant 0 : i32
        %dma_start3A_299 = tpu.memref_slice %arg4[%add3A_297, %dma_start3A_298] : memref<100000x128xf32, #tpu.memory_space<hbm>> -> memref<224x128xf32, #tpu.memory_space<hbm>>
        %dma_start3A_300 = arith.constant 0 : i32
        %dma_start3A_301 = tpu.memref_slice %arg4[%add3A_297, %dma_start3A_300] : memref<100000x128xf32, #tpu.memory_space<hbm>> -> memref<224x128xf32, #tpu.memory_space<hbm>>
        tpu.enqueue_dma source(%arg7 : memref<224x128xf32, #tpu.memory_space<vmem>>) target(%dma_start3A_301 : memref<224x128xf32, #tpu.memory_space<hbm>>) target_semaphore(%run_scoped3A : memref<!tpu.dma_semaphore, #tpu.memory_space<semaphore_mem>>)
        %dma_wait3A_302 = arith.constant 0 : i32
        %dma_wait3A_303 = tpu.memref_slice %arg4[%add3A_297, %dma_wait3A_302] : memref<100000x128xf32, #tpu.memory_space<hbm>> -> memref<224x128xf32, #tpu.memory_space<hbm>>
        %dma_wait3A_304 = arith.constant 0 : i32
        %dma_wait3A_305 = tpu.memref_slice %arg4[%add3A_297, %dma_wait3A_304] : memref<100000x128xf32, #tpu.memory_space<hbm>> -> memref<224x128xf32, #tpu.memory_space<hbm>>
        tpu.wait_dma2 semaphore(%run_scoped3A : memref<!tpu.dma_semaphore, #tpu.memory_space<semaphore_mem>>) src(%arg7 : memref<224x128xf32, #tpu.memory_space<vmem>>) dst(%dma_wait3A_305 : memref<224x128xf32, #tpu.memory_space<hbm>>)
        tpu.yield
      }) : () -> ()
    } else {
    }
    %convert_element_type3A_279 = arith.extui %eq3A_3 : i1 to i32
    %cond3A_280 = arith.constant 0 : i32
    %cond3A_281 = arith.cmpi ne, %convert_element_type3A_279, %cond3A_280 : i32
    scf.if %cond3A_281 {
      %add3A_296 = arith.constant 2688 : i32
      %add3A_297 = arith.addi %mul3A_2, %add3A_296 : i32
      "tpu.region"() ({
        %run_scoped3A = tpu.sem_alloc : memref<!tpu.dma_semaphore, #tpu.memory_space<semaphore_mem>>
        %dma_start3A_298 = arith.constant 0 : i32
        %dma_start3A_299 = arith.constant 0 : i32
        %dma_start3A_300 = tpu.memref_slice %arg7[%dma_start3A_298, %dma_start3A_299] : memref<224x128xf32, #tpu.memory_space<vmem>> -> memref<96x128xf32, #tpu.memory_space<vmem>>
        %dma_start3A_301 = arith.constant 0 : i32
        %dma_start3A_302 = tpu.memref_slice %arg4[%add3A_297, %dma_start3A_301] : memref<100000x128xf32, #tpu.memory_space<hbm>> -> memref<96x128xf32, #tpu.memory_space<hbm>>
        %dma_start3A_303 = arith.constant 0 : i32
        %dma_start3A_304 = tpu.memref_slice %arg4[%add3A_297, %dma_start3A_303] : memref<100000x128xf32, #tpu.memory_space<hbm>> -> memref<96x128xf32, #tpu.memory_space<hbm>>
        %dma_start3A_305 = arith.constant 0 : i32
        %dma_start3A_306 = arith.constant 0 : i32
        %dma_start3A_307 = tpu.memref_slice %arg7[%dma_start3A_305, %dma_start3A_306] : memref<224x128xf32, #tpu.memory_space<vmem>> -> memref<96x128xf32, #tpu.memory_space<vmem>>
        tpu.enqueue_dma source(%dma_start3A_307 : memref<96x128xf32, #tpu.memory_space<vmem>>) target(%dma_start3A_304 : memref<96x128xf32, #tpu.memory_space<hbm>>) target_semaphore(%run_scoped3A : memref<!tpu.dma_semaphore, #tpu.memory_space<semaphore_mem>>)
        %dma_wait3A_308 = arith.constant 0 : i32
        %dma_wait3A_309 = arith.constant 0 : i32
        %dma_wait3A_310 = tpu.memref_slice %arg7[%dma_wait3A_308, %dma_wait3A_309] : memref<224x128xf32, #tpu.memory_space<vmem>> -> memref<96x128xf32, #tpu.memory_space<vmem>>
        %dma_wait3A_311 = arith.constant 0 : i32
        %dma_wait3A_312 = tpu.memref_slice %arg4[%add3A_297, %dma_wait3A_311] : memref<100000x128xf32, #tpu.memory_space<hbm>> -> memref<96x128xf32, #tpu.memory_space<hbm>>
        %dma_wait3A_313 = arith.constant 0 : i32
        %dma_wait3A_314 = tpu.memref_slice %arg4[%add3A_297, %dma_wait3A_313] : memref<100000x128xf32, #tpu.memory_space<hbm>> -> memref<96x128xf32, #tpu.memory_space<hbm>>
        %dma_wait3A_315 = arith.constant 0 : i32
        %dma_wait3A_316 = arith.constant 0 : i32
        %dma_wait3A_317 = tpu.memref_slice %arg7[%dma_wait3A_315, %dma_wait3A_316] : memref<224x128xf32, #tpu.memory_space<vmem>> -> memref<96x128xf32, #tpu.memory_space<vmem>>
        tpu.wait_dma2 semaphore(%run_scoped3A : memref<!tpu.dma_semaphore, #tpu.memory_space<semaphore_mem>>) src(%dma_wait3A_317 : memref<96x128xf32, #tpu.memory_space<vmem>>) dst(%dma_wait3A_314 : memref<96x128xf32, #tpu.memory_space<hbm>>)
        tpu.yield
      }) : () -> ()
    } else {
    }
    %dma_wait3A_282 = arith.constant 2912 : i32
    %dma_wait3A_283 = tpu.memref_slice %arg6[%dma_wait3A_282] : memref<3136xi32, #tpu.memory_space<vmem>> -> memref<224xi32, #tpu.memory_space<vmem>>
    %dma_wait3A_284 = arith.constant 0 : i32
    %dma_wait3A_285 = arith.constant 0 : i32
    %dma_wait3A_286 = tpu.memref_slice %arg11[%dma_wait3A_284, %dma_wait3A_285] : memref<4096x128xf32, #tpu.memory_space<vmem_shared>> -> memref<4096x128xf32, #tpu.memory_space<vmem_shared>>
    tpu.wait_indirect_dma semaphore(%arg13 : memref<!tpu.dma_semaphore, #tpu.memory_space<semaphore_mem>>) src(%dma_wait3A_286 : memref<4096x128xf32, #tpu.memory_space<vmem_shared>>) dst(%arg8 : memref<224x128xf32, #tpu.memory_space<vmem>>)
    %not3A_287 = arith.constant true
    %not3A_288 = arith.xori %eq3A_3, %not3A_287 : i1
    %convert_element_type3A_289 = arith.extui %not3A_288 : i1 to i32
    %cond3A_290 = arith.constant 0 : i32
    %cond3A_291 = arith.cmpi ne, %convert_element_type3A_289, %cond3A_290 : i32
    scf.if %cond3A_291 {
      %add3A_296 = arith.constant 2912 : i32
      %add3A_297 = arith.addi %mul3A_2, %add3A_296 : i32
      "tpu.region"() ({
        %run_scoped3A = tpu.sem_alloc : memref<!tpu.dma_semaphore, #tpu.memory_space<semaphore_mem>>
        %dma_start3A_298 = arith.constant 0 : i32
        %dma_start3A_299 = tpu.memref_slice %arg4[%add3A_297, %dma_start3A_298] : memref<100000x128xf32, #tpu.memory_space<hbm>> -> memref<224x128xf32, #tpu.memory_space<hbm>>
        %dma_start3A_300 = arith.constant 0 : i32
        %dma_start3A_301 = tpu.memref_slice %arg4[%add3A_297, %dma_start3A_300] : memref<100000x128xf32, #tpu.memory_space<hbm>> -> memref<224x128xf32, #tpu.memory_space<hbm>>
        tpu.enqueue_dma source(%arg8 : memref<224x128xf32, #tpu.memory_space<vmem>>) target(%dma_start3A_301 : memref<224x128xf32, #tpu.memory_space<hbm>>) target_semaphore(%run_scoped3A : memref<!tpu.dma_semaphore, #tpu.memory_space<semaphore_mem>>)
        %dma_wait3A_302 = arith.constant 0 : i32
        %dma_wait3A_303 = tpu.memref_slice %arg4[%add3A_297, %dma_wait3A_302] : memref<100000x128xf32, #tpu.memory_space<hbm>> -> memref<224x128xf32, #tpu.memory_space<hbm>>
        %dma_wait3A_304 = arith.constant 0 : i32
        %dma_wait3A_305 = tpu.memref_slice %arg4[%add3A_297, %dma_wait3A_304] : memref<100000x128xf32, #tpu.memory_space<hbm>> -> memref<224x128xf32, #tpu.memory_space<hbm>>
        tpu.wait_dma2 semaphore(%run_scoped3A : memref<!tpu.dma_semaphore, #tpu.memory_space<semaphore_mem>>) src(%arg8 : memref<224x128xf32, #tpu.memory_space<vmem>>) dst(%dma_wait3A_305 : memref<224x128xf32, #tpu.memory_space<hbm>>)
        tpu.yield
      }) : () -> ()
    } else {
    }
    %dma_wait3A_292 = arith.constant 0 : i32
    %dma_wait3A_293 = tpu.memref_slice %arg4[%add3A_255, %dma_wait3A_292] : memref<100000x128xf32, #tpu.memory_space<hbm>> -> memref<224x128xf32, #tpu.memory_space<hbm>>
    %dma_wait3A_294 = arith.constant 0 : i32
    %dma_wait3A_295 = tpu.memref_slice %arg4[%add3A_255, %dma_wait3A_294] : memref<100000x128xf32, #tpu.memory_space<hbm>> -> memref<224x128xf32, #tpu.memory_space<hbm>>
    tpu.wait_dma2 semaphore(%arg17 : memref<!tpu.dma_semaphore, #tpu.memory_space<semaphore_mem>>) src(%arg9 : memref<224x128xf32, #tpu.memory_space<vmem>>) dst(%dma_wait3A_295 : memref<224x128xf32, #tpu.memory_space<hbm>>)
    return
  }
}

module attributes {stable_mosaic.version = 14 : i64} {
  func.func @_bits_body(%arg0: memref<32x4096xi32, #tpu.memory_space<vmem>>, %arg1: memref<8x4096xf32, #tpu.memory_space<vmem>>) attributes {dimension_semantics = [], scalar_prefetch = 0 : i64, scratch_operands = 0 : i64, tpu.core_type = #tpu.core_type<tc>} {
    %get3A = arith.constant 0 : index
    %get3A_0 = arith.constant 0 : index
    %get3A_1 = vector.load %arg0[%get3A, %get3A_0] : memref<32x4096xi32, #tpu.memory_space<vmem>>, vector<32x4096xi32>
    %reduce_sum3A = arith.constant dense<0> : vector<4096xi32>
    %reduce_sum3A_2 = vector.multi_reduction <add>, %get3A_1, %reduce_sum3A [0] : vector<32x4096xi32> to vector<4096xi32>
    %broadcast_in_dim3A = vector.shape_cast %reduce_sum3A_2 : vector<4096xi32> to vector<1x4096xi32>
    %iota3A = tpu.iota {dimensions = array<i32: 0>} : vector<8x4096xi32>
    %shift_right_arithmetic3A = vector.broadcast %broadcast_in_dim3A : vector<1x4096xi32> to vector<8x4096xi32>
    %shift_right_arithmetic3A_3 = arith.shrsi %shift_right_arithmetic3A, %iota3A : vector<8x4096xi32>
    %and3A = arith.constant 1 : i32
    %and3A_4 = vector.broadcast %and3A : i32 to vector<8x4096xi32>
    %and3A_5 = arith.andi %shift_right_arithmetic3A_3, %and3A_4 : vector<8x4096xi32>
    %convert_element_type3A = arith.sitofp %and3A_5 : vector<8x4096xi32> to vector<8x4096xf32>
    %swap3A = arith.constant 0 : index
    %swap3A_6 = arith.constant 0 : index
    %swap3A_7 = vector.load %arg1[%swap3A, %swap3A_6] : memref<8x4096xf32, #tpu.memory_space<vmem>>, vector<8x4096xf32>
    tpu.vector_store %arg1[%swap3A, %swap3A_6], %convert_element_type3A {strides = array<i32>} : memref<8x4096xf32, #tpu.memory_space<vmem>>, vector<8x4096xf32>,
    return
  }
}

module attributes {stable_mosaic.version = 14 : i64} {
  func.func @_emb_body(%arg0: memref<4096x1xf32, #tpu.memory_space<vmem>>, %arg1: memref<4096x128xf32, #tpu.memory_space<vmem>>, %arg2: memref<4096x1xf32, #tpu.memory_space<vmem>>, %arg3: memref<4096x1xf32, #tpu.memory_space<vmem>>) attributes {dimension_semantics = [], scalar_prefetch = 0 : i64, scratch_operands = 0 : i64, tpu.core_type = #tpu.core_type<tc>} {
    %get3A = arith.constant 0 : index
    %get3A_0 = arith.constant 0 : index
    %get3A_1 = vector.load %arg0[%get3A, %get3A_0] : memref<4096x1xf32, #tpu.memory_space<vmem>>, vector<4096x1xf32>
    %iota3A = tpu.iota {dimensions = array<i32: 1>} : vector<1x128xi32>
    %ge3A = arith.constant 64 : i32
    %ge3A_2 = vector.broadcast %ge3A : i32 to vector<1x128xi32>
    %ge3A_3 = arith.cmpi sge, %iota3A, %ge3A_2 : vector<1x128xi32>
    %sub3A = arith.constant 64 : i32
    %sub3A_4 = vector.broadcast %sub3A : i32 to vector<1x128xi32>
    %sub3A_5 = arith.subi %iota3A, %sub3A_4 : vector<1x128xi32>
    %select_n3A = arith.select %ge3A_3, %sub3A_5, %iota3A : vector<1x128xi1>, vector<1x128xi32>
    %convert_element_type3A = arith.sitofp %select_n3A : vector<1x128xi32> to vector<1x128xf32>
    %log3A = arith.constant 1.000000e+04 : f32
    %log3A_6 = math.log %log3A : f32
    %neg3A = arith.constant 0.000000e+00 : f32
    %neg3A_7 = arith.subf %neg3A, %log3A_6 : f32
    %mul3A = vector.broadcast %neg3A_7 : f32 to vector<1x128xf32>
    %mul3A_8 = arith.mulf %mul3A, %convert_element_type3A : vector<1x128xf32>
    %div3A = arith.constant 6.400000e+01 : f32
    %div3A_9 = vector.broadcast %div3A : f32 to vector<1x128xf32>
    %div3A_10 = arith.divf %mul3A_8, %div3A_9 : vector<1x128xf32>
    %exp3A = math.exp %div3A_10 : vector<1x128xf32>
    %jit3A = arith.constant 1.57079637 : f32
    %jit3A_11 = arith.constant 0.000000e+00 : f32
    %broadcast_in_dim3A = vector.broadcast %jit3A : f32 to vector<1x128xf32>
    %broadcast_in_dim3A_12 = vector.broadcast %jit3A_11 : f32 to vector<1x128xf32>
    %select_n3A_13 = arith.select %ge3A_3, %broadcast_in_dim3A, %broadcast_in_dim3A_12 : vector<1x128xi1>, vector<1x128xf32>
    %mul3A_14 = vector.broadcast %get3A_1 : vector<4096x1xf32> to vector<4096x128xf32>
    %mul3A_15 = vector.broadcast %exp3A : vector<1x128xf32> to vector<4096x128xf32>
    %mul3A_16 = arith.mulf %mul3A_14, %mul3A_15 : vector<4096x128xf32>
    %add3A = vector.broadcast %select_n3A_13 : vector<1x128xf32> to vector<4096x128xf32>
    %add3A_17 = arith.addf %mul3A_16, %add3A : vector<4096x128xf32>
    %mul3A_18 = arith.mulf %add3A_17, %add3A_17 : vector<4096x128xf32>
    %mul3A_19 = arith.constant -2.50521079E-8 : f32
    %mul3A_20 = vector.broadcast %mul3A_19 : f32 to vector<4096x128xf32>
    %mul3A_21 = arith.mulf %mul3A_20, %mul3A_18 : vector<4096x128xf32>
    %add3A_22 = arith.constant 2.75573188E-6 : f32
    %add3A_23 = vector.broadcast %add3A_22 : f32 to vector<4096x128xf32>
    %add3A_24 = arith.addf %mul3A_21, %add3A_23 : vector<4096x128xf32>
    %mul3A_25 = arith.mulf %add3A_24, %mul3A_18 : vector<4096x128xf32>
    %add3A_26 = arith.constant -1.98412701E-4 : f32
    %add3A_27 = vector.broadcast %add3A_26 : f32 to vector<4096x128xf32>
    %add3A_28 = arith.addf %mul3A_25, %add3A_27 : vector<4096x128xf32>
    %mul3A_29 = arith.mulf %add3A_28, %mul3A_18 : vector<4096x128xf32>
    %add3A_30 = arith.constant 0.00833333377 : f32
    %add3A_31 = vector.broadcast %add3A_30 : f32 to vector<4096x128xf32>
    %add3A_32 = arith.addf %mul3A_29, %add3A_31 : vector<4096x128xf32>
    %mul3A_33 = arith.mulf %add3A_32, %mul3A_18 : vector<4096x128xf32>
    %add3A_34 = arith.constant -0.166666672 : f32
    %add3A_35 = vector.broadcast %add3A_34 : f32 to vector<4096x128xf32>
    %add3A_36 = arith.addf %mul3A_33, %add3A_35 : vector<4096x128xf32>
    %mul3A_37 = arith.mulf %add3A_36, %mul3A_18 : vector<4096x128xf32>
    %add3A_38 = arith.constant 1.000000e+00 : f32
    %add3A_39 = vector.broadcast %add3A_38 : f32 to vector<4096x128xf32>
    %add3A_40 = arith.addf %mul3A_37, %add3A_39 : vector<4096x128xf32>
    %mul3A_41 = arith.mulf %add3A_17, %add3A_40 : vector<4096x128xf32>
    %swap3A = arith.constant 0 : index
    %swap3A_42 = arith.constant 0 : index
    %swap3A_43 = vector.load %arg1[%swap3A, %swap3A_42] : memref<4096x128xf32, #tpu.memory_space<vmem>>, vector<4096x128xf32>
    tpu.vector_store %arg1[%swap3A, %swap3A_42], %mul3A_41 {strides = array<i32>} : memref<4096x128xf32, #tpu.memory_space<vmem>>, vector<4096x128xf32>,
    %sub3A_44 = arith.constant 1.000000e+00 : f32
    %sub3A_45 = vector.broadcast %sub3A_44 : f32 to vector<4096x1xf32>
    %sub3A_46 = arith.subf %sub3A_45, %get3A_1 : vector<4096x1xf32>
    %swap3A_47 = arith.constant 0 : index
    %swap3A_48 = arith.constant 0 : index
    %swap3A_49 = vector.load %arg2[%swap3A_47, %swap3A_48] : memref<4096x1xf32, #tpu.memory_space<vmem>>, vector<4096x1xf32>
    tpu.vector_store %arg2[%swap3A_47, %swap3A_48], %sub3A_46 {strides = array<i32>} : memref<4096x1xf32, #tpu.memory_space<vmem>>, vector<4096x1xf32>,
    %swap3A_50 = arith.constant 0 : index
    %swap3A_51 = arith.constant 0 : index
    %swap3A_52 = vector.load %arg3[%swap3A_50, %swap3A_51] : memref<4096x1xf32, #tpu.memory_space<vmem>>, vector<4096x1xf32>
    tpu.vector_store %arg3[%swap3A_50, %swap3A_51], %get3A_1 {strides = array<i32>} : memref<4096x1xf32, #tpu.memory_space<vmem>>, vector<4096x1xf32>,
    return
  }
}

</mosaic_0001>

<sc_bundles>
// kernel: kernel.5.cloned.1.call-start
scs
__scs_entry_jumppad:
0x0: {  	(pc) =	sbr.rel $0x88, $3  }
0x1: {  	(tag) =	ssettag $0x0;
	lr =	simm.s32 $0x1  }
0x2: {  	[smem:$0x3F9F] =	sst lr;
	_ =	strace $0xD0000000  }
0x3: {  	_ = 	snop  }
0x4: {  	_ = 	snop  }
0x5: {  	_ = 	snop  }
0x6: {  	_ = 	snop  }
0x7: {  	_ = 	snop  }
__scs_overlays_trampoline_lowered:
0x8: {  	[smem:$0x3FAE] =	sst s0  }
0x9: {  	[smem:$0x3FAF] =	sst s1  }
0xa: {  	[smem:$0x3FB0] =	sst s2  }
0xb: {  	[smem:$0x3FB1] =	sst s3  }
0xc: {  	[smem:$0x3FB2] =	sst s4  }
0xd: {  	[smem:$0x3FB3] =	sst s5  }
0xe: {  	[smem:$0x3FB4] =	sst s6  }
0xf: {  	[smem:$0x3FB5] =	sst s7  }
0x10: {  	[smem:$0x3FB6] =	sst s8  }
0x11: {  	[smem:$0x3FB7] =	sst s9;
	s0 =	simm.s32 @!p0 $0x0  }
0x12: {  	s1 =	sld [smem:$0x3F9D];
	s0 =	simm.s32 @p0 $0x1  }
0x13: {  	[smem:$0x3FB8] =	sst s0;
	s0 =	simm.s32 @!p1 $0x0  }
0x14: {  	s2 =	sld [smem:$0x3F9C];
	s0 =	simm.s32 @p1 $0x1  }
0x15: {  	[smem:$0x3FB9] =	sst s0;
	s0 =	simm.s32 @!p2 $0x0  }
0x16: {  	s3 =	sld [smem:$0x3FDB];
	s0 =	simm.s32 @p2 $0x1  }
0x17: {  	s4 =	simm.s32 $0x1BF5;
	[smem:$0x3FBB] =	sst s0  }
0x18: {  	s0 =	sld [smem:$0x3F9E];
	_ =	swait.ge [sflag:s4], $0x0  }
0x19: {  	s7 =	sld [smem:$0x3F9F]  }
0x1a: {  	s8 =	sadd.s32 $0xFFFFE003, lr  }
0x1b: {  	s9 =	sadd.s32 $0xFFFFFEF7, lr;
	s5 =	simm.s32 $0xFFFFFFFF;
	p2 =	slt.u32 s8, $0xFFFFF086  }
0x1c: {  	p1 =	slt.u32 s9, $0xF7A;
	s5 =	simm.s32 @!p2 $0x0  }
0x1d: {  	s5 =	simm.s32 @p1 $0x1;
	p0 =	seq.s32 s7, s2  }
0x1e: {  	s7 =	smul.u32 @!p0 $0xF7A, s2;
	p2 =	seq.s32 @!p0 s5, $0x0  }
0x1f: {  	s9 =	smul.u32 $0xF7A, s1;
	s8 =	simm.s32 @!p0 $0x1BF5;
	p2 =	por !p2, p0  }
0x20: {  	[sflag:s8] =	ssyncset.s32 @!p0 $0xFFFFF086;
	s6 =	sadd.s32 @!p0 s3, s7;
	s7 =	simm.s32 @!p0 $0x108  }
0x21: {  	s3 =	sadd.s32 s3, s9;
	s6 =	sadd.s32 @!p0 $0x88, s6;
	s7 =	simm.s32 @p2 $0x1082  }
0x22: {  	[simem:s7], [sflag:s8] =	dma.local @!p0 [hbm:s6], $0xF7A  }
0x23: {  	s9 =	sor.u32 $0xD0000000, s2;
	s6 =	simm.s32 $0x108;
	_ =	swait.ge @!p0 [sflag:s8], $0x0  }
0x24: {  	s3 =	sadd.s32 $0x88, s3;
	s6 =	simm.s32 @!p1 $0x1082;
	[sflag:s4] =	ssyncset.s32 $0xFFFFF086  }
0x25: {  	[simem:s6], [sflag:s4] =	dma.local [hbm:s3], $0xF7A  }
0x26: {  	[smem:$0x3F9F] =	sst s1;
	(tag) =	ssettag s2;
	_ =	strace s9  }
0x27: {  	s1 =	sld [smem:$0x3FAF]  }
0x28: {  	s2 =	sld [smem:$0x3FB0]  }
0x29: {  	s4 =	sld [smem:$0x3FB2]  }
0x2a: {  	p0 =	seq.s32 s5, $0x0;
	s5 =	sld [smem:$0x3FB3]  }
0x2b: {  	s6 =	sld [smem:$0x3FB4]  }
0x2c: {  	s7 =	sld [smem:$0x3FB5]  }
0x2d: {  	s3 =	simm.s32 $0x108;
	s8 =	sld [smem:$0x3FB6]  }
0x2e: {  	s3 =	simm.s32 @!p0 $0x1082;
	s9 =	sld [smem:$0x3FB7]  }
0x2f: {  	lr =	sadd.s32 s0, s3;
	s0 =	sld [smem:$0x3FAE]  }
0x30: {  	s3 =	sld [smem:$0x3FB1]  }
0x31: {  	[smem:$0x3FBA] =	sst s10  }
0x32: {  	s10 =	sld [smem:$0x3FB8];
	_ =	sdelay $0x3  }
0x33: {  	p0 =	seq.s32 s10, $0x1;
	s10 =	sld [smem:$0x3FBA];
	_ =	sdelay $0x3  }
0x34: {  	[smem:$0x3FBA] =	sst s10  }
0x35: {  	s10 =	sld [smem:$0x3FB9];
	_ =	sdelay $0x3  }
0x36: {  	p1 =	seq.s32 s10, $0x1;
	s10 =	sld [smem:$0x3FBA];
	_ =	sdelay $0x3  }
0x37: {  	[smem:$0x3FBA] =	sst s10  }
0x38: {  	s10 =	sld [smem:$0x3FBB]  }
0x39: {  	_ = 	snop;
	(pc) =	sbr.ind lr, $3  }
0x3a: {  	_ = 	snop  }
0x3b: {  	_ = 	snop  }
0x3c: {  	p2 =	seq.s32 s10, $0x1;
	s10 =	sld [smem:$0x3FBA]  }
0x3d: {  	_ =	shalt  }
0x3e: {  	_ =	shalt  }
0x3f: {  	_ =	shalt  }
0x40: {  	_ =	shalt  }
0x41: {  	_ =	shalt  }
0x42: {  	_ =	shalt  }
0x43: {  	_ =	shalt  }
0x44: {  	_ =	shalt  }
0x45: {  	_ =	shalt  }
0x46: {  	_ =	shalt  }
0x47: {  	_ =	shalt  }
0x48: {  	_ =	shalt  }
0x49: {  	_ =	shalt  }
0x4a: {  	_ =	shalt  }
0x4b: {  	_ =	shalt  }
0x4c: {  	_ =	shalt  }
0x4d: {  	_ =	shalt  }
0x4e: {  	_ =	shalt  }
0x4f: {  	_ =	shalt  }
0x50: {  	_ =	shalt  }
0x51: {  	_ =	shalt  }
0x52: {  	_ =	shalt  }
0x53: {  	_ =	shalt  }
0x54: {  	_ =	shalt  }
0x55: {  	_ =	shalt  }
0x56: {  	_ =	shalt  }
0x57: {  	_ =	shalt  }
0x58: {  	_ =	shalt  }
0x59: {  	_ =	shalt  }
0x5a: {  	_ =	shalt  }
0x5b: {  	_ =	shalt  }
0x5c: {  	_ =	shalt  }
0x5d: {  	_ =	shalt  }
0x5e: {  	_ =	shalt  }
0x5f: {  	_ =	shalt  }
0x60: {  	_ =	shalt  }
0x61: {  	_ =	shalt  }
0x62: {  	_ =	shalt  }
0x63: {  	_ =	shalt  }
0x64: {  	_ =	shalt  }
0x65: {  	_ =	shalt  }
0x66: {  	_ =	shalt  }
0x67: {  	_ =	shalt  }
0x68: {  	_ =	shalt  }
0x69: {  	_ =	shalt  }
0x6a: {  	_ =	shalt  }
0x6b: {  	_ =	shalt  }
0x6c: {  	_ =	shalt  }
0x6d: {  	_ =	shalt  }
0x6e: {  	_ =	shalt  }
0x6f: {  	_ =	shalt  }
0x70: {  	_ =	shalt  }
0x71: {  	_ =	shalt  }
0x72: {  	_ =	shalt  }
0x73: {  	_ =	shalt  }
0x74: {  	_ =	shalt  }
0x75: {  	_ =	shalt  }
0x76: {  	_ =	shalt  }
0x77: {  	_ =	shalt  }
0x78: {  	_ =	shalt  }
0x79: {  	_ =	shalt  }
0x7a: {  	_ =	shalt  }
0x7b: {  	_ =	shalt  }
0x7c: {  	_ =	shalt  }
0x7d: {  	_ =	shalt  }
0x7e: {  	_ =	shalt  }
0x7f: {  	_ =	shalt  }
0x80: {  	_ =	shalt  }
0x81: {  	_ =	shalt  }
0x82: {  	_ =	shalt  }
0x83: {  	_ =	shalt  }
0x84: {  	_ =	shalt  }
0x85: {  	_ =	shalt  }
0x86: {  	_ =	shalt  }
0x87: {  	_ =	shalt  }
.Lfunc_end0:
.L_simem_size_0:
called_computation_lowered:
.L_overlay_start_0:
0x88: {  	s2 =	sld [smem:$0x3FD9]  }
0x89: {  	s3 =	sld [smem:$0x3FFE];
	_ =	sdelay $0x1  }
0x8a: {  	s1 =	srdreg.scid  }
0x8b: {  	s0 =	sand.u32 $0x1, s1  }
0x8c: {  	s14 =	sshll.u32 s0, $0xA;
	s2 =	sadd.s32 s3, s2  }
0x8d: {  	s2 =	sadd.s32 s2, s14  }
0x8e: {  	[smem:$0x3FC6] =	sst s2  }
0x8f: {  	_ = 	snop  }
0x90: {  	s2 =	sld [smem:$0x3FD0];
	_ =	sdelay $0x2  }
0x91: {  	s4 =	simm.s32 $0xA;
	s5 =	simm.s32 $0x10;
	s15 =	sld [smem:$0x3FC8]  }
0x92: {  	[smem:s5], [sflag:s4] =	dma.local [hbm:s2], $0x1  }
0x93: {  	_ =	swait.eq [sflag:s4], $0x1  }
0x94: {  	[sflag:s4] =	ssyncset.done $0x0  }
0x95: {  	[sflag:s4] =	ssyncadd.s32 $0xFFFFFFFF  }
0x96: {  	s16 =	sld [smem:$0x10];
	(tm) =	ssettm $0x1  }
0x97: {  	s17 =	sld [smem:$0x3FFB];
	_ =	sdelay $0x3  }
0x98: {  	_ =	strace s17  }
0x99: {  	s4 =	sld [smem:$0x3FFC];
	_ =	sdelay $0x3  }
0x9a: {  	_ =	strace s4  }
0x9b: {  	s4 =	sld [smem:$0x3FFD];
	_ =	sdelay $0x3  }
0x9c: {  	_ =	strace s4  }
0x9d: {  	_ =	strace $0x8FFFFFFF  }
0x9e: {  	s18 =	sld [smem:$0x3FDB];
	_ =	sdelay $0x1  }
0x9f: {  	s19 =	simm.s32 $_scs_section_size  }
0xa0: {  	s6 =	simm.s32 $_size__tile_overlayer_lowered;
	s7 =	simm.s32 $_tile_overlayer_lowered  }
0xa1: {  	s22 =	simm.s32 $0x1BFF;
	s21 =	sshll.u32 s7, $0x1;
	s4 =	sadd.s32 s19, s18  }
0xa2: {  	s8 =	simm.s32 $0x0;
	s20 =	sshll.u32 s6, $0x1;
	s6 =	sadd.s32 s21, s4  }
0xa3: {  	[timem:s8], [sflag:s22] =	dma.local [hbm:s6], s20  }
0xa4: {  	_ =	swait.ge [sflag:s22], s20  }
0xa5: {  	s5 =	ssub.s32 $0x0, s20;
	[sflag:s22] =	ssyncset.done $0x0  }
0xa6: {  	[sflag:s22] =	ssyncadd.s32 s5;
	_ =	sdelay $0x1  }
0xa7: {  	s23 =	simm.s32 $0x1B8B  }
0xa8: {  	_ =	swait.ge [sflag:s23], $0x1  }
0xa9: {  	[sflag:s23] =	ssyncset.done $0x0  }
0xaa: {  	s25 =	simm.s32 $0x1B8E;
	s24 =	sld [smem:$0x3FFE];
	[sflag:s23] =	ssyncadd.s32 $0xFFFFFFFF  }
0xab: {  	s26 =	simm.s32 $execute0_lowered;
	[smem:$0x3FD2] =	sst s25  }
0xac: {  	s6 =	sshll.u32 s26, $0x1;
	_ =	strace $0x80000046;
	[dreg:$0x1] =	wrdreg $0xFFFFFFFF  }
0xad: {  	s28 =	simm.s32 $_size_execute0_lowered;
	s4 =	sadd.s32 s4, s6;
	[dreg:$0x0] =	wrdreg $0x0  }
0xae: {  	s6 =	sshll.u32 s28, $0x1;
	[dreg:$0x2] =	wrdreg s4  }
0xaf: {  	[dreg:$0x3] =	wrdreg s6  }
0xb0: {  	[dreg:$0x4] =	wrdreg $0xC0  }
0xb1: {  	_ =	task [dreg:s8], $0x5FFFF  }
0xb2: {  	[dreg:$0x1] =	wrdreg $0xFFFFFFFF  }
0xb3: {  	[dreg:$0x0] =	wrdreg $0x60  }
0xb4: {  	[dreg:$0x2] =	wrdreg s24  }
0xb5: {  	[dreg:$0x3] =	wrdreg s15  }
0xb6: {  	[dreg:$0x4] =	wrdreg s16  }
0xb7: {  	[dreg:$0x5] =	wrdreg $0x16C800  }
0xb8: {  	[dreg:$0x6] =	wrdreg $0x9  }
0xb9: {  	_ =	task.clear_ibuf [dreg:s8], $0x7FFFF;
	_ =	strace $0x90000046  }
0xba: {  	s29 =	simm.s32 $0x9;
	_ =	strace $0x80000048  }
0xbb: {  	_ =	swait.ge [sflag:s29], $0x1  }
0xbc: {  	[sflag:s29] =	ssyncadd.s32 $0xFFFFFFFF  }
0xbd: {  	_ =	strace $0x90000048  }
0xbe: {  	_ =	sfence  }
0xbf: {  	s30 =	sld [smem:$0x0];
	_ =	sdelay $0x2  }
0xc0: {  	s31 =	sshll.u32 s1, $0xD;
	s1 =	sshrl.u32 s1, $0x2  }
0xc1: {  	s3 =	sand.u32 $0x4000, s31;
	s1 =	sadd.s32 s1, s30  }
0xc2: {  	s0 =	sor.u32 s3, s0;
	s1 =	sshll.u32 s1, $0x11  }
0xc3: {  	s0 =	sor.u32 s1, s0  }
0xc4: {  	s0 =	sadd.s32 $0x8F2B, s0  }
0xc5: {  	[sflag:s0] =	ssyncadd.remote.s32 $0x1  }
0xc6: {  	_ =	sfence.sel $0xFFFF  }
0xc7: {  	[dreg:$0x0] =	wrdreg $0xFFFFFFFF;
	(pc) =	sbr.abs _section_cstart, $3  }
0xc8: {  	[dreg:$0x1] =	wrdreg $0xFFFFFFFF  }
0xc9: {  	_ =	task.clear_ibuf [dreg:s8], $0x2FFFF;
	_ =	strace $0x9FFFFFFF  }
0xca: {  	(tm) =	ssettm $0x7FFFFFFF  }
0xcb: {  	_ =	shalt  }
tec
execute0_lowered:
.L_overlay_start_1:
0x0: {  	(tag) =	ssettag $0x1  }
0x1: {  	s0 =	rddreg [dreg:$0x0]  }
0x2: {  	s1 =	rddreg [dreg:$0x1]  }
0x3: {  	s4 =	rddreg [dreg:$0x2]  }
0x4: {  	s2 =	rddreg [dreg:$0x3];
	s3 =	simm.s32 $0x0;
	s12 =	stileid.u32  }
0x5: {  	s5 =	srdreg.scid;
	s28 =	simm.s32 $0xE0;
	s29 =	simm.s32 $0xC80  }
0x6: {  	s30 =	simm.s32 $0x7C80;
	s31 =	simm.s32 $0x15C80;
	[smem:$0x7FF] =	sst s3  }
0x7: {  	s5 =	sand.u32 $0x1, s5;
	s6 =	sshll.u32 s12, $0x1;
	s7 =	sshll.u32 s12, $0xC  }
0x8: {  	s8 =	sshll.u32 s12, $0xA;
	s23 =	sshll.u32 s12, $0xF;
	_ =	strace $0x80000047  }
0x9: {  	s6 =	sor.u32 s5, s6;
	s9 =	ssub.s32 $0x2, s5;
	s5 =	smul.u32 $0xC40, s5  }
0xa: {  	s7 =	sadd.s32 s7, s0;
	s8 =	sand.u32 $0x3000, s8;
	s10 =	smul.u32 $0xC40, s6  }
0xb: {  	s11 =	sshrl.u32 s9, $0x1;
	s0 =	sadd.s32 s8, s0;
	s24 =	smul.u32 $0x62000, s6  }
0xc: {  	s25 =	sshll.u32 s6, $0x4;
	s26 =	smul.u32 $0xC400, s6;
	s7 =	sadd.s32 $0xE00, s7  }
0xd: {  	p0 =	seq.s32 s6, $0x1F;
	p1 =	sne.s32 s6, $0x1F;
	s6 =	simm.s32 $0x3  }
0xe: {  	s8 =	ssub.s32 s9, s11;
	[dreg:$0x7] =	wrdreg s7;
	s7 =	simm.s32 $0x5  }
0xf: {  	s22 =	sshrl.u32 s10, $0x3;
	s10 =	sshrl.u32 s24, $0x3;
	s20 =	sadd.s32 s4, s26  }
0x10: {  	s24 =	smul.u32 $0x1880, s12;
	s9 =	sadd.s32 s1, s22;
	[dreg:$0x9] =	wrdreg s20  }
0x11: {  	s1 =	sadd.s32 $0x2F78, s1;
	s13 =	sadd.s32 s4, s10;
	[dreg:$0x5] =	wrdreg s9  }
0x12: {  	[dreg:$0x6] =	wrdreg s1;
	s1 =	sadd.s32 s23, s2;
	s9 =	sand.u32 $0x70, s25  }
0x13: {  	s21 =	sadd.s32 $0xE00, s13;
	s22 =	sadd.s32 $0x1C00, s13;
	s23 =	sadd.s32 $0x2A00, s13  }
0x14: {  	s25 =	sadd.s32 $0x3800, s13;
	s26 =	sadd.s32 $0x4600, s13;
	[dreg:$0xa] =	wrdreg s21  }
0x15: {  	s14 =	sadd.s32 $0x5400, s13;
	s15 =	sadd.s32 $0x6200, s13;
	[dreg:$0xb] =	wrdreg s22  }
0x16: {  	s16 =	sadd.s32 $0x7000, s13;
	s17 =	sadd.s32 $0x7E00, s13;
	[dreg:$0xc] =	wrdreg s23  }
0x17: {  	s18 =	sadd.s32 $0x8C00, s13;
	s19 =	sadd.s32 $0x9A00, s13;
	[dreg:$0xd] =	wrdreg s25  }
0x18: {  	s20 =	sadd.s32 $0xA800, s13;
	s0 =	sadd.s32 s9, s0;
	[dreg:$0xe] =	wrdreg s26  }
0x19: {  	s21 =	sadd.s32 $0xB600, s13;
	s22 =	sadd.s32 $0x186400, s4;
	s23 =	smax.u32 s8, $0x1  }
0x1a: {  	s25 =	sshrl.u32 s1, $0x3;
	s26 =	simm.s32 $0x7;
	s1 =	simm.s32 $0xEC80  }
0x1b: {  	s4 =	simm.s32 $0x2;
	s8 =	simm.s32 $0x6;
	s0 =	sadd.s32 $0x10E00, s0  }
0x1c: {  	s9 =	simm.s32 $0x0;
	[dreg:$0x8] =	wrdreg s0;
	s0 =	sadd.s32 s5, s24  }
0x1d: {  	v0 =	vimm.s32 $0x0;
	vm0 =	vmxor vm0, vm0;
	v1 =	vimm.s32 $0x1;
	s5 =	simm.s32 $0x4;
	s10 =	sor.u32 $0x10, s0;
	s0 =	simm.s32 $0x1  }
.LBB2_1:
0x1e: {  	s11 =	simm.s32 @p0 $0x0;
	s12 =	rddreg [dreg:$0x6]  }
0x1f: {  	[tilespmem:s11], [sflag:$0x7] =	stream.linear.gather @p0 [hbm4b:s12+s11], $0xAE0, $0x38;
	[tilespmem:$0x1EC80] =	vst v63  }
0x20: {  	s11 =	simm.s32 @p0 $0x7  }
0x21: {  	_ =	swait.ge @p0 [sflag:s11], $0xAE0  }
0x22: {  	[sflag:s11] =	ssyncset.done @p0 $0x0  }
0x23: {  	v2 =	vimm.s32 @p0 $0x0;
	[sflag:s11] =	ssyncadd.s32 @p0 $0xFFFFF520  }
0x24: {  	[tilespmem:$0xAE0] =	vst @p0 v2  }
0x25: {  	[tilespmem:$0xAF0] =	vst @p0 v2  }
0x26: {  	[tilespmem:$0xB00] =	vst @p0 v2  }
0x27: {  	[tilespmem:$0xB10] =	vst @p0 v2  }
0x28: {  	[tilespmem:$0xB20] =	vst @p0 v2  }
0x29: {  	[tilespmem:$0xB30] =	vst @p0 v2  }
0x2a: {  	[tilespmem:$0xB40] =	vst @p0 v2  }
0x2b: {  	[tilespmem:$0xB50] =	vst @p0 v2  }
0x2c: {  	[tilespmem:$0xB60] =	vst @p0 v2  }
0x2d: {  	[tilespmem:$0xB70] =	vst @p0 v2  }
0x2e: {  	[tilespmem:$0xB80] =	vst @p0 v2  }
0x2f: {  	[tilespmem:$0xB90] =	vst @p0 v2  }
0x30: {  	[tilespmem:$0xBA0] =	vst @p0 v2  }
0x31: {  	[tilespmem:$0xBB0] =	vst @p0 v2  }
0x32: {  	[tilespmem:$0xBC0] =	vst @p0 v2  }
0x33: {  	[tilespmem:$0xBD0] =	vst @p0 v2  }
0x34: {  	[tilespmem:$0xBE0] =	vst @p0 v2  }
0x35: {  	[tilespmem:$0xBF0] =	vst @p0 v2  }
0x36: {  	[tilespmem:$0xC00] =	vst @p0 v2  }
0x37: {  	[tilespmem:$0xC10] =	vst @p0 v2  }
0x38: {  	[tilespmem:$0xC20] =	vst @p0 v2  }
0x39: {  	s12 =	rddreg [dreg:$0x5];
	s11 =	simm.s32 @!p0 $0x0;
	[tilespmem:$0xC30] =	vst @p0 v2  }
0x3a: {  	[tilespmem:s11], [sflag:$0x7] =	stream.linear.gather @!p0 [hbm4b:s12+s11], $0xC40, $0x38;
	[tilespmem:$0x1EC80] =	vst v63  }
0x3b: {  	s11 =	simm.s32 @!p0 $0x7  }
0x3c: {  	s24 =	stileid.u32;
	_ =	swait.ge @!p0 [sflag:s11], $0xC40  }
0x3d: {  	s12 =	sshll.u32 s24, $0x6;
	[sflag:s11] =	ssyncset.done @!p0 $0x0  }
0x3e: {  	s13 =	sor.u32 $0x1C07, s12;
	s24 =	rddreg [dreg:$0x7];
	[sflag:s11] =	ssyncadd.s32 @!p0 $0xFFFFF3C0  }
0x3f: {  	[spmem:s25], [sflag:s13] =	dma.local [hbm:s24], $0x1000  }
0x40: {  	_ =	swait.ge [sflag:s26], $0x1000  }
0x41: {  	[sflag:s26] =	ssyncset.done $0x0  }
0x42: {  	[sflag:s26] =	ssyncadd.s32 $0xFFFFF000  }
0x43: {  	[bflag:$0x0] =	sbarrier.arrive $0xFFFF  }
0x44: {  	[tilespmem:s29], [sflag:$0x1] =	stream.indirect.gather [spmem:s2], $0x80, s3, s28, $0xb8;
	[tilespmem:$0x1EC80] =	vst v63  }
0x45: {  	s11 =	simm.s32 $0x0  }
0x46: {  	[tilespmem:s30], [sflag:$0x2] =	stream.indirect.gather [spmem:s2], $0x80, s28, s28, $0xb8;
	[tilespmem:$0x1EC80] =	vst v63  }
.LBB2_2:
0x47: {  	p2 =	sne.s32 s11, $0x3F00  }
.Ltmp0:
0x48: {  	s12 =	sshra.s32 s11, $0x2;
	(pc) =	sbr.rel @p2 .LBB2_2-.Ltmp0, $4  }
0x49: {  	[tilespmem:s12+$0x15C80] =	vst v0  }
0x4a: {  	[tilespmem:s12+$0x15C90] =	vst v0  }
0x4b: {  	[tilespmem:s12+$0x15CA0] =	vst v0  }
0x4c: {  	s11 =	sadd.s32 $0x100, s11;
	[tilespmem:s12+$0x15CB0] =	vst v0  }
0x4d: {  	s12 =	simm.s32 $0x0;
	s11 =	simm.s32 $0x80;
	s24 =	smov.u32 s10  }
.LBB2_4:
0x4e: {  	p2 =	sne.s32 s11, $0x3080;
	v2 =	vld [tilespmem:s12+$0x0];
	s13 =	sadd.s32 $0xFFFFFFF0, s24  }
0x4f: {  	vm1 =	vmmov vm0;
	p3 =	slt.u32 s13, $0x186A0  }
0x50: {  	vm1 =	vmneg @p3 vm1;
	_ =	sdelay $0x5  }
0x51: {  	[tilespmem:v2+s31+$0x0] =	vst.idx.add.s32.msk vm1, v1  }
0x52: {  	v2 =	vld [tilespmem:s12+$0x10]  }
0x53: {  	p3 =	slt.u32 s24, $0x186A0;
	vm1 =	vmmov vm0  }
0x54: {  	vm1 =	vmneg @p3 vm1;
	_ =	sdelay $0x1  }
.Ltmp1:
0x55: {  	(pc) =	sbr.rel @p2 .LBB2_4-.Ltmp1, $2  }
0x56: {  	_ =	sdelay $0x2  }
0x57: {  	s24 =	sadd.s32 $0x20, s24;
	s12 =	sshra.s32 s11, $0x2;
	s11 =	sadd.s32 $0x80, s11;
	[tilespmem:v2+s31+$0x0] =	vst.idx.add.s32.msk vm1, v1  }
0x58: {  	v2 =	vld [tilespmem:s12+$0x0];
	s11 =	sadd.s32 $0xFFFFFFF0, s24  }
0x59: {  	vm1 =	vmmov vm0;
	p2 =	slt.u32 s11, $0x186A0  }
0x5a: {  	vm1 =	vmneg @p2 vm1;
	_ =	sdelay $0x5  }
0x5b: {  	[tilespmem:v2+s31+$0x0] =	vst.idx.add.s32.msk vm1, v1  }
0x5c: {  	v2 =	vld [tilespmem:s12+$0x10]  }
0x5d: {  	p2 =	slt.u32 s24, $0x186A0;
	vm1 =	vmmov vm0  }
0x5e: {  	vm1 =	vmneg @p2 vm1;
	_ =	sdelay $0x5  }
0x5f: {  	s13 =	simm.s32 $0x400;
	s24 =	simm.s32 $0x80;
	s12 =	rddreg [dreg:$0x8];
	[tilespmem:v2+s31+$0x0] =	vst.idx.add.s32.msk vm1, v1  }
0x60: {  	[hbm4b:s12+s24] =	stream.strided.scatter [tilespmem:s31], [sflag:$0x7], $0x1000, s13, s24, $0x38;
	[tilespmem:$0x1EC80] =	vst v63  }
0x61: {  	_ =	swait.ge [sflag:s26], $0x1000  }
0x62: {  	[sflag:s26] =	ssyncset.done $0x0  }
0x63: {  	[sflag:s26] =	ssyncadd.s32 $0xFFFFF000  }
0x64: {  	_ =	swait.ge [sflag:s0], $0x7000  }
0x65: {  	[sflag:s0] =	ssyncset.done $0x0  }
0x66: {  	s12 =	rddreg [dreg:$0x9];
	[sflag:s0] =	ssyncadd.s32 $0xFFFF9000  }
0x67: {  	[hbm4b:s12+s3] =	stream.linear.scatter [tilespmem:s29], [sflag:$0x4], $0x7000, $0x38;
	[tilespmem:$0x1EC80] =	vst v63  }
0x68: {  	s13 =	simm.s32 $0x1C0  }
0x69: {  	[tilespmem:s1], [sflag:$0x3] =	stream.indirect.gather [spmem:s2], $0x80, s13, s28, $0xb8;
	[tilespmem:$0x1EC80] =	vst v63  }
0x6a: {  	_ =	swait.ge [sflag:s4], $0x7000  }
0x6b: {  	[sflag:s4] =	ssyncset.done $0x0  }
0x6c: {  	s24 =	rddreg [dreg:$0xa];
	[sflag:s4] =	ssyncadd.s32 $0xFFFF9000  }
0x6d: {  	[hbm4b:s24+s3] =	stream.linear.scatter [tilespmem:s30], [sflag:$0x5], $0x7000, $0x38;
	[tilespmem:$0x1EC80] =	vst v63  }
0x6e: {  	_ =	swait.ge [sflag:s5], $0x7000  }
0x6f: {  	[sflag:s5] =	ssyncset.done $0x0  }
0x70: {  	s12 =	simm.s32 $0x2A0;
	[sflag:s5] =	ssyncadd.s32 $0xFFFF9000  }
0x71: {  	[tilespmem:s29], [sflag:$0x1] =	stream.indirect.gather [spmem:s2], $0x80, s12, s28, $0xb8;
	[tilespmem:$0x1EC80] =	vst v63  }
0x72: {  	_ =	swait.ge [sflag:s6], $0x7000  }
0x73: {  	[sflag:s6] =	ssyncset.done $0x0  }
0x74: {  	s13 =	rddreg [dreg:$0xb];
	[sflag:s6] =	ssyncadd.s32 $0xFFFF9000  }
0x75: {  	[hbm4b:s13+s3] =	stream.linear.scatter [tilespmem:s1], [sflag:$0x6], $0x7000, $0x38;
	[tilespmem:$0x1EC80] =	vst v63  }
0x76: {  	_ =	swait.ge [sflag:s7], $0x7000  }
0x77: {  	[sflag:s7] =	ssyncset.done $0x0  }
0x78: {  	s24 =	simm.s32 $0x380;
	[sflag:s7] =	ssyncadd.s32 $0xFFFF9000  }
0x79: {  	[tilespmem:s30], [sflag:$0x2] =	stream.indirect.gather [spmem:s2], $0x80, s24, s28, $0xb8;
	[tilespmem:$0x1EC80] =	vst v63  }
0x7a: {  	_ =	swait.ge [sflag:s0], $0x7000  }
0x7b: {  	[sflag:s0] =	ssyncset.done $0x0  }
0x7c: {  	s12 =	rddreg [dreg:$0xc];
	[sflag:s0] =	ssyncadd.s32 $0xFFFF9000  }
0x7d: {  	[hbm4b:s12+s3] =	stream.linear.scatter [tilespmem:s29], [sflag:$0x4], $0x7000, $0x38;
	[tilespmem:$0x1EC80] =	vst v63  }
0x7e: {  	_ =	swait.ge [sflag:s8], $0x7000  }
0x7f: {  	[sflag:s8] =	ssyncset.done $0x0  }
0x80: {  	s13 =	simm.s32 $0x460;
	[sflag:s8] =	ssyncadd.s32 $0xFFFF9000  }
0x81: {  	[tilespmem:s1], [sflag:$0x3] =	stream.indirect.gather [spmem:s2], $0x80, s13, s28, $0xb8;
	[tilespmem:$0x1EC80] =	vst v63  }
0x82: {  	_ =	swait.ge [sflag:s4], $0x7000  }
0x83: {  	[sflag:s4] =	ssyncset.done $0x0  }
0x84: {  	s24 =	rddreg [dreg:$0xd];
	[sflag:s4] =	ssyncadd.s32 $0xFFFF9000  }
0x85: {  	[hbm4b:s24+s3] =	stream.linear.scatter [tilespmem:s30], [sflag:$0x5], $0x7000, $0x38;
	[tilespmem:$0x1EC80] =	vst v63  }
0x86: {  	_ =	swait.ge [sflag:s5], $0x7000  }
0x87: {  	[sflag:s5] =	ssyncset.done $0x0  }
0x88: {  	s12 =	simm.s32 $0x540;
	[sflag:s5] =	ssyncadd.s32 $0xFFFF9000  }
0x89: {  	[tilespmem:s29], [sflag:$0x1] =	stream.indirect.gather [spmem:s2], $0x80, s12, s28, $0xb8;
	[tilespmem:$0x1EC80] =	vst v63  }
0x8a: {  	_ =	swait.ge [sflag:s6], $0x7000  }
0x8b: {  	[sflag:s6] =	ssyncset.done $0x0  }
0x8c: {  	s13 =	rddreg [dreg:$0xe];
	[sflag:s6] =	ssyncadd.s32 $0xFFFF9000  }
0x8d: {  	[hbm4b:s13+s3] =	stream.linear.scatter [tilespmem:s1], [sflag:$0x6], $0x7000, $0x38;
	[tilespmem:$0x1EC80] =	vst v63  }
0x8e: {  	_ =	swait.ge [sflag:s7], $0x7000  }
0x8f: {  	[sflag:s7] =	ssyncset.done $0x0  }
0x90: {  	s24 =	simm.s32 $0x620;
	[sflag:s7] =	ssyncadd.s32 $0xFFFF9000  }
0x91: {  	[tilespmem:s30], [sflag:$0x2] =	stream.indirect.gather [spmem:s2], $0x80, s24, s28, $0xb8;
	[tilespmem:$0x1EC80] =	vst v63  }
0x92: {  	_ =	swait.ge [sflag:s0], $0x7000  }
0x93: {  	[sflag:s0] =	ssyncset.done $0x0  }
0x94: {  	[sflag:s0] =	ssyncadd.s32 $0xFFFF9000  }
0x95: {  	[hbm4b:s14+s3] =	stream.linear.scatter [tilespmem:s29], [sflag:$0x4], $0x7000, $0x38;
	[tilespmem:$0x1EC80] =	vst v63  }
0x96: {  	_ =	swait.ge [sflag:s8], $0x7000  }
0x97: {  	[sflag:s8] =	ssyncset.done $0x0  }
0x98: {  	s12 =	simm.s32 $0x700;
	[sflag:s8] =	ssyncadd.s32 $0xFFFF9000  }
0x99: {  	[tilespmem:s1], [sflag:$0x3] =	stream.indirect.gather [spmem:s2], $0x80, s12, s28, $0xb8;
	[tilespmem:$0x1EC80] =	vst v63  }
0x9a: {  	_ =	swait.ge [sflag:s4], $0x7000  }
0x9b: {  	[sflag:s4] =	ssyncset.done $0x0  }
0x9c: {  	[sflag:s4] =	ssyncadd.s32 $0xFFFF9000  }
0x9d: {  	[hbm4b:s15+s3] =	stream.linear.scatter [tilespmem:s30], [sflag:$0x5], $0x7000, $0x38;
	[tilespmem:$0x1EC80] =	vst v63  }
0x9e: {  	_ =	swait.ge [sflag:s5], $0x7000  }
0x9f: {  	[sflag:s5] =	ssyncset.done $0x0  }
0xa0: {  	s13 =	simm.s32 $0x7E0;
	[sflag:s5] =	ssyncadd.s32 $0xFFFF9000  }
0xa1: {  	[tilespmem:s29], [sflag:$0x1] =	stream.indirect.gather [spmem:s2], $0x80, s13, s28, $0xb8;
	[tilespmem:$0x1EC80] =	vst v63  }
0xa2: {  	_ =	swait.ge [sflag:s6], $0x7000  }
0xa3: {  	[sflag:s6] =	ssyncset.done $0x0  }
0xa4: {  	[sflag:s6] =	ssyncadd.s32 $0xFFFF9000  }
0xa5: {  	[hbm4b:s16+s3] =	stream.linear.scatter [tilespmem:s1], [sflag:$0x6], $0x7000, $0x38;
	[tilespmem:$0x1EC80] =	vst v63  }
0xa6: {  	_ =	swait.ge [sflag:s7], $0x7000  }
0xa7: {  	[sflag:s7] =	ssyncset.done $0x0  }
0xa8: {  	s24 =	simm.s32 $0x8C0;
	[sflag:s7] =	ssyncadd.s32 $0xFFFF9000  }
0xa9: {  	[tilespmem:s30], [sflag:$0x2] =	stream.indirect.gather [spmem:s2], $0x80, s24, s28, $0xb8;
	[tilespmem:$0x1EC80] =	vst v63  }
0xaa: {  	_ =	swait.ge [sflag:s0], $0x7000  }
0xab: {  	[sflag:s0] =	ssyncset.done $0x0  }
0xac: {  	[sflag:s0] =	ssyncadd.s32 $0xFFFF9000  }
0xad: {  	[hbm4b:s17+s3] =	stream.linear.scatter [tilespmem:s29], [sflag:$0x4], $0x7000, $0x38;
	[tilespmem:$0x1EC80] =	vst v63  }
0xae: {  	_ =	swait.ge [sflag:s8], $0x7000  }
0xaf: {  	[sflag:s8] =	ssyncset.done $0x0  }
0xb0: {  	s12 =	simm.s32 $0x9A0;
	[sflag:s8] =	ssyncadd.s32 $0xFFFF9000  }
0xb1: {  	[tilespmem:s1], [sflag:$0x3] =	stream.indirect.gather [spmem:s2], $0x80, s12, s28, $0xb8;
	[tilespmem:$0x1EC80] =	vst v63  }
0xb2: {  	_ =	swait.ge [sflag:s4], $0x7000  }
0xb3: {  	[sflag:s4] =	ssyncset.done $0x0  }
0xb4: {  	[sflag:s4] =	ssyncadd.s32 $0xFFFF9000  }
0xb5: {  	[hbm4b:s18+s3] =	stream.linear.scatter [tilespmem:s30], [sflag:$0x5], $0x7000, $0x38;
	[tilespmem:$0x1EC80] =	vst v63  }
0xb6: {  	_ =	swait.ge [sflag:s5], $0x7000  }
0xb7: {  	[sflag:s5] =	ssyncset.done $0x0  }
0xb8: {  	s13 =	simm.s32 $0xA80;
	[sflag:s5] =	ssyncadd.s32 $0xFFFF9000  }
0xb9: {  	[tilespmem:s29], [sflag:$0x1] =	stream.indirect.gather [spmem:s2], $0x80, s13, s28, $0xb8;
	[tilespmem:$0x1EC80] =	vst v63  }
0xba: {  	_ =	swait.ge [sflag:s6], $0x7000  }
0xbb: {  	[sflag:s6] =	ssyncset.done $0x0  }
0xbc: {  	[sflag:s6] =	ssyncadd.s32 $0xFFFF9000  }
0xbd: {  	[hbm4b:s19+s3] =	stream.linear.scatter [tilespmem:s1], [sflag:$0x6], $0x7000, $0x38;
	[tilespmem:$0x1EC80] =	vst v63  }
0xbe: {  	_ =	swait.ge [sflag:s7], $0x7000  }
0xbf: {  	[sflag:s7] =	ssyncset.done $0x0  }
0xc0: {  	s24 =	simm.s32 $0xB60;
	[sflag:s7] =	ssyncadd.s32 $0xFFFF9000  }
0xc1: {  	[tilespmem:s30], [sflag:$0x2] =	stream.indirect.gather [spmem:s2], $0x80, s24, s28, $0xb8;
	[tilespmem:$0x1EC80] =	vst v63  }
0xc2: {  	_ =	swait.ge [sflag:s0], $0x7000  }
0xc3: {  	[sflag:s0] =	ssyncset.done $0x0  }
0xc4: {  	s11 =	simm.s32 @p1 $0x0;
	s12 =	simm.s32 @p1 $0xC80;
	[sflag:s0] =	ssyncadd.s32 $0xFFFF9000  }
0xc5: {  	[hbm4b:s20+s11] =	stream.linear.scatter @p1 [tilespmem:s12], [sflag:$0x7], $0x7000, $0x38;
	[tilespmem:$0x1EC80] =	vst v63  }
0xc6: {  	s12 =	simm.s32 @p1 $0x7  }
0xc7: {  	_ =	swait.ge @p1 [sflag:s12], $0x7000  }
0xc8: {  	[sflag:s12] =	ssyncset.done @p1 $0x0  }
0xc9: {  	[sflag:s12] =	ssyncadd.s32 @p1 $0xFFFF9000;
	s12 =	simm.s32 @p1 $0x2  }
0xca: {  	_ =	swait.ge @p1 [sflag:s12], $0x7000  }
0xcb: {  	[sflag:s12] =	ssyncset.done @p1 $0x0  }
0xcc: {  	[sflag:s12] =	ssyncadd.s32 @p1 $0xFFFF9000;
	s12 =	simm.s32 @p1 $0x7C80  }
0xcd: {  	[hbm4b:s21+s11] =	stream.linear.scatter @p1 [tilespmem:s12], [sflag:$0x7], $0x7000, $0x38;
	[tilespmem:$0x1EC80] =	vst v63  }
0xce: {  	s11 =	simm.s32 @!p1 $0x0;
	s12 =	simm.s32 @!p1 $0xC80  }
0xcf: {  	[hbm4b:s22+s11] =	stream.linear.scatter @!p1 [tilespmem:s12], [sflag:$0x7], $0x3000, $0x38;
	[tilespmem:$0x1EC80] =	vst v63  }
0xd0: {  	s11 =	simm.s32 @!p1 $0x7  }
0xd1: {  	_ =	swait.ge @!p1 [sflag:s11], $0x3000  }
0xd2: {  	s12 =	simm.s32 @!p1 $0x2;
	[sflag:s11] =	ssyncset.done @!p1 $0x0  }
0xd3: {  	s9 =	sadd.s32 $0x1, s9;
	s12 =	simm.s32 @p1 $0x7;
	[sflag:s11] =	ssyncadd.s32 @!p1 $0xFFFFD000  }
0xd4: {  	p2 =	sne.s32 s9, s23;
	_ =	swait.ge [sflag:s12], $0x7000  }
.Ltmp2:
0xd5: {  	[sflag:s12] =	ssyncset.done $0x0;
	(pc) =	sbr.rel @p2 .LBB2_1-.Ltmp2, $4  }
0xd6: {  	[sflag:s12] =	ssyncadd.s32 $0xFFFF9000  }
0xd7: {  	_ =	swait.ge [sflag:s8], $0x7000  }
0xd8: {  	[sflag:s8] =	ssyncset.done $0x0  }
0xd9: {  	[sflag:s8] =	ssyncadd.s32 $0xFFFF9000  }
0xda: {  	_ =	sfence.sel $0x180000  }
0xdb: {  	[bflag:$0x0] =	sbarrier.arrive $0xFFFF  }
0xdc: {  	_ =	strace $0x90000047  }
0xdd: {  	s0 =	stileid.u32;
	[bflag:$0x2] =	sbarrier.arrive $0xFFFF  }
0xde: {  	p0 =	sne.s32 s0, $0x0;
	s0 =	rddreg [dreg:$0x4]  }
0xdf: {  	s0 =	sadd.s32 @!p0 $0x100000, s0  }
0xe0: {  	[sflag:s0] =	ssyncadd.tile.s32 @!p0 $0x1;
	_ =	shalt  }
.Lfunc_end2:
_tile_overlayer_lowered:
.L_overlay_start_2:
0xe1: {  	(tag) =	ssettag $0x2  }
0xe2: {  	s0 =	rddreg [dreg:$0x0];
	s2 =	stileid.u32  }
0xe3: {  	s1 =	rddreg [dreg:$0x1];
	p0 =	sne.s32 s2, $0x0  }
0xe4: {  	s3 =	rddreg [dreg:$0x2];
	[bflag:$0x3] =	sbarrier.arrive $0xFFFF;
	s2 =	simm.s32 @!p0 $0x1C07  }
0xe5: {  	[timem:s3], [sflag:s2] =	dma.local @!p0 [hbm:s0], s1  }
0xe6: {  	s0 =	simm.s32 @!p0 $0x7  }
0xe7: {  	_ =	swait.ge @!p0 [sflag:s0], s1  }
0xe8: {  	s1 =	ssub.s32 @!p0 $0x0, s1;
	[sflag:s0] =	ssyncset.done @!p0 $0x0  }
0xe9: {  	[sflag:s0] =	ssyncadd.s32 @!p0 s1  }
0xea: {  	[bflag:$0x3] =	sbarrier.arrive $0xFFFF  }
0xeb: {  	_ =	shalt  }

</sc_bundles>
